<compile_context>
chip_gen: v7x
topology: tpu7x:2x2x1
jax: 0.10.2.dev20260603
libtpu: 0.0.44.dev20260713+nightly
codegen_flags: <defaults>
</compile_context>

<pallas_src>
import functools

import jax
import jax.numpy as jnp
from jax import lax
from jax.experimental import pallas as pl
from jax.experimental.pallas import tpu as pltpu
from jax.experimental.pallas import tpu_sc as plsc

N = 10000
D = 256
NCLS = 40
E = 160000

NP = 10240
NC = 2
NS = 16
K = 128
CH = 80
EP = NS * CH * K
STRIPE = NP // NS
BN = 512
NB = NP // BN

f32 = jnp.float32




@functools.cache
def _build_deg_kernel():
    mesh = plsc.VectorSubcoreMesh(core_axis_name="c", subcore_axis_name="s")

    @functools.partial(
        pl.kernel,
        out_type=jax.ShapeDtypeStruct((NC, NP, 128), f32),
        mesh=mesh,
        scratch_types=[
            pltpu.VMEM((CH, K), jnp.int32),
            pltpu.VMEM((K, 128), f32),
            pltpu.VMEM_SHARED((NP, 128), f32),
        ],
    )
    def deg_kernel(dst_hbm, ones_hbm, z_hbm, out_hbm, dstv, ones_v, acc):
        c = lax.axis_index("c")
        s = lax.axis_index("s")
        pltpu.sync_copy(dst_hbm.at[s], dstv)
        pltpu.sync_copy(ones_hbm, ones_v)
        pltpu.sync_copy(z_hbm.at[pl.ds(s * STRIPE, STRIPE)],
                        acc.at[pl.ds(s * STRIPE, STRIPE)])
        plsc.subcore_barrier()

        half = CH // NC

        def body(j, carry):
            pltpu.sync_copy(ones_v, acc.at[dstv.at[c * half + j]], add=True)
            return carry

        lax.fori_loop(0, half, body, 0)
        plsc.subcore_barrier()
        pltpu.sync_copy(acc.at[pl.ds(s * STRIPE, STRIPE)],
                        out_hbm.at[c, pl.ds(s * STRIPE, STRIPE)])

    return deg_kernel


@functools.cache
def _build_edge_kernel():
    mesh = plsc.VectorSubcoreMesh(core_axis_name="c", subcore_axis_name="s")

    @functools.partial(
        pl.kernel,
        out_type=jax.ShapeDtypeStruct((NC, NP, 128), f32),
        mesh=mesh,
        scratch_types=[
            pltpu.VMEM((CH, K), jnp.int32),
            pltpu.VMEM((CH, K), jnp.int32),
            pltpu.VMEM((K, 128), f32),
            pltpu.VMEM_SHARED((NP, 128), f32),
        ],
    )
    def edge_kernel(y_hbm, src_hbm, dst_hbm, z_hbm, out_hbm,
                    srcv, dstv, buf, acc):
        c = lax.axis_index("c")
        s = lax.axis_index("s")
        pltpu.sync_copy(src_hbm.at[c, s], srcv)
        pltpu.sync_copy(dst_hbm.at[s], dstv)
        pltpu.sync_copy(z_hbm.at[pl.ds(s * STRIPE, STRIPE)],
                        acc.at[pl.ds(s * STRIPE, STRIPE)])
        plsc.subcore_barrier()

        def body(j, carry):
            pltpu.sync_copy(y_hbm.at[srcv.at[j]], buf)
            pltpu.sync_copy(buf, acc.at[dstv.at[j]], add=True)
            return carry

        lax.fori_loop(0, CH, body, 0)
        plsc.subcore_barrier()
        pltpu.sync_copy(acc.at[pl.ds(s * STRIPE, STRIPE)],
                        out_hbm.at[c, pl.ds(s * STRIPE, STRIPE)])

    return edge_kernel


def _deg_kernel(dst_t, ones128, z128):
    return _build_deg_kernel()(dst_t, ones128, z128)


def _edge_kernel(y2d, src_both, dst_t, z128):
    return _build_edge_kernel()(y2d, src_both, dst_t, z128)



def _dinv_from(deg_ref):
    d = deg_ref[0, :, 0] + deg_ref[1, :, 0] + 1.0
    return lax.rsqrt(d)[:, None]


def _mm_in_body(x_ref, w_ref, deg_ref, o_ref):
    dinv = _dinv_from(deg_ref)
    y = jnp.dot(x_ref[...], w_ref[...], preferred_element_type=f32)
    o_ref[...] = (dinv * y)[None]


def _mid_body(s_ref, y_ref, deg_ref, b_ref, w_ref, o_ref):
    dinv = _dinv_from(deg_ref)
    sf = jnp.concatenate([s_ref[0], s_ref[1]], axis=1)
    yf = jnp.concatenate([y_ref[0], y_ref[1]], axis=1)
    h = jnp.maximum(dinv * (sf + yf) + b_ref[...], 0.0)
    y2 = dinv * jnp.dot(h, w_ref[...], preferred_element_type=f32)
    o_ref[0] = y2[:, :128]
    o_ref[1] = y2[:, 128:]


def _head_body(s_ref, y_ref, deg_ref, b2_ref, w3_ref, b3_ref, w4_ref,
               b4_ref, o_ref):
    dinv = _dinv_from(deg_ref)
    sf = jnp.concatenate([s_ref[0], s_ref[1]], axis=1)
    yf = jnp.concatenate([y_ref[0], y_ref[1]], axis=1)
    h2 = jnp.maximum(dinv * (sf + yf) + b2_ref[...], 0.0)
    h3 = jnp.maximum(
        jnp.dot(h2, w3_ref[...], preferred_element_type=f32) + b3_ref[...], 0.0)
    o_ref[...] = jnp.dot(h3, w4_ref[...], preferred_element_type=f32) + b4_ref[...]


def _mm_in(x, w, degraw):
    return pl.pallas_call(
        _mm_in_body,
        grid=(NB, 2),
        in_specs=[
            pl.BlockSpec((BN, D), lambda i, h: (i, 0)),
            pl.BlockSpec((D, 128), lambda i, h: (0, h)),
            pl.BlockSpec((2, BN, 128), lambda i, h: (0, i, 0)),
        ],
        out_specs=pl.BlockSpec((1, BN, 128), lambda i, h: (h, i, 0)),
        out_shape=jax.ShapeDtypeStruct((2, NP, 128), f32),
    )(x, w, degraw)


def _mid(sacc, y, degraw, b, w):
    return pl.pallas_call(
        _mid_body,
        grid=(NB,),
        in_specs=[
            pl.BlockSpec((2, BN, 128), lambda i: (0, i, 0)),
            pl.BlockSpec((2, BN, 128), lambda i: (0, i, 0)),
            pl.BlockSpec((2, BN, 128), lambda i: (0, i, 0)),
            pl.BlockSpec((1, D), lambda i: (0, 0)),
            pl.BlockSpec((D, D), lambda i: (0, 0)),
        ],
        out_specs=pl.BlockSpec((2, BN, 128), lambda i: (0, i, 0)),
        out_shape=jax.ShapeDtypeStruct((2, NP, 128), f32),
    )(sacc, y, degraw, b, w)


def _head(sacc, y, degraw, b2, w3, b3, w4p, b4p):
    return pl.pallas_call(
        _head_body,
        grid=(NB,),
        in_specs=[
            pl.BlockSpec((2, BN, 128), lambda i: (0, i, 0)),
            pl.BlockSpec((2, BN, 128), lambda i: (0, i, 0)),
            pl.BlockSpec((2, BN, 128), lambda i: (0, i, 0)),
            pl.BlockSpec((1, D), lambda i: (0, 0)),
            pl.BlockSpec((D, D), lambda i: (0, 0)),
            pl.BlockSpec((1, D), lambda i: (0, 0)),
            pl.BlockSpec((D, 128), lambda i: (0, 0)),
            pl.BlockSpec((1, 128), lambda i: (0, 0)),
        ],
        out_specs=pl.BlockSpec((BN, 128), lambda i: (i, 0)),
        out_shape=jax.ShapeDtypeStruct((NP, 128), f32),
    )(sacc, y, degraw, b2, w3, b3, w4p, b4p)




def kernel(x, edge_index, W1, b1, W2, b2, W3, b3, W4, b4):
    x = x.astype(f32)
    src = edge_index[0].astype(jnp.int32)
    dst = edge_index[1].astype(jnp.int32)

    pad = EP - E
    padv = jnp.full((pad,), NP - 1, jnp.int32)
    src_p = jnp.concatenate([src, padv])
    dst_p = jnp.concatenate([dst, padv])
    src_both = jnp.stack([src_p, src_p + NP]).reshape(NC, NS, CH, K)
    dst_t = dst_p.reshape(NS, CH, K)

    ones128 = jnp.ones((K, 128), f32)
    z128 = jnp.zeros((NP, 128), f32)
    xp = jnp.pad(x, ((0, NP - N), (0, 0)))
    b1r = b1.reshape(1, D)
    b2r = b2.reshape(1, D)
    b3r = b3.reshape(1, D)
    w4p = jnp.pad(W4, ((0, 0), (0, 128 - NCLS)))
    b4p = jnp.pad(b4, (0, 128 - NCLS)).reshape(1, 128)

    degraw = _deg_kernel(dst_t, ones128, z128)

    y1 = _mm_in(xp, W1, degraw)
    s1 = _edge_kernel(y1.reshape(NC * NP, 128), src_both, dst_t, z128)
    y2 = _mid(s1, y1, degraw, b1r, W2)
    s2 = _edge_kernel(y2.reshape(NC * NP, 128), src_both, dst_t, z128)
    out = _head(s2, y2, degraw, b2r, W3, b3r, w4p, b4p)
    return out[:N, :NCLS]

# --- scband reference (transcript-rebuilt; emitter-appended) ---
"""Pipeline reference for scband-base-model-classification-27857157882300 (READ-ONLY COPY).

The authoritative reference and input builder live on the scoring server;
editing this copy changes nothing except your own understanding.
"""

import jax, jax.numpy as jnp
import numpy as np

N_NODES = 10000
D = 256
N_CLASSES = 40
N_EDGES = 160000


def gcn_conv(x, edge_index, W, b):
    n = x.shape[0]
    src = edge_index[0]
    dst = edge_index[1]
    # add self loops (PyG GCNConv default)
    loop = jnp.arange(n, dtype=src.dtype)
    src = jnp.concatenate([src, loop])
    dst = jnp.concatenate([dst, loop])
    # symmetric normalization: deg computed on dst (col)
    deg = jnp.zeros((n,), dtype=x.dtype).at[dst].add(1.0)
    deg_inv_sqrt = jnp.where(deg > 0, deg ** -0.5, 0.0)
    norm = deg_inv_sqrt[src] * deg_inv_sqrt[dst]
    # linear transform first, then propagate
    xw = x @ W
    msg = xw[src] * norm[:, None]
    out = jnp.zeros((n, W.shape[1]), dtype=x.dtype).at[dst].add(msg)
    return out + b


def setup_inputs(seed: int = 0) -> dict:
    key = jax.random.key(seed)
    ks = jax.random.split(key, 10)
    x = jax.random.normal(ks[0], (N_NODES, D), dtype=jnp.float32)
    edge_index = jax.random.randint(ks[1], (2, N_EDGES), 0, N_NODES, dtype=jnp.int64)
    s = 1.0 / np.sqrt(D)
    W1 = jax.random.uniform(ks[2], (D, D), jnp.float32, -s, s)
    b1 = jnp.zeros((D,), jnp.float32)
    W2 = jax.random.uniform(ks[3], (D, D), jnp.float32, -s, s)
    b2 = jnp.zeros((D,), jnp.float32)
    W3 = jax.random.uniform(ks[4], (D, D), jnp.float32, -s, s)
    b3 = jax.random.uniform(ks[5], (D,), jnp.float32, -s, s)
    W4 = jax.random.uniform(ks[6], (D, N_CLASSES), jnp.float32, -s, s)
    b4 = jax.random.uniform(ks[7], (N_CLASSES,), jnp.float32, -s, s)
    return {"x": x, "edge_index": edge_index, "W1": W1, "b1": b1, "W2": W2, "b2": b2, "W3": W3, "b3": b3, "W4": W4, "b4": b4}


def reference(x, edge_index, W1, b1, W2, b2, W3, b3, W4, b4):
    x = x.astype(jnp.float32)
    h = jax.nn.relu(gcn_conv(x, edge_index, W1, b1))
    h = jax.nn.relu(gcn_conv(h, edge_index, W2, b2))
    h = jax.nn.relu(h @ W3 + b3)
    out = h @ W4 + b4
    return out

if __name__ == "__main__":
    import jax
    _d = setup_inputs()
    print(jax.jit(kernel)(*tuple(_d.values())))

</pallas_src>

<mosaic_0001>
#map = affine_map<(d0, d1) -> (0, 0, 0)>
#map1 = affine_map<(d0, d1) -> (0, 0)>
module attributes {stable_mosaic.version = 14 : i64} {
  func.func @deg_kernel(%arg0: i32, %arg1: i32, %arg2: memref<16x80x128xi32, #tpu.memory_space<hbm>>, %arg3: memref<128x128xf32, #tpu.memory_space<hbm>>, %arg4: memref<10240x128xf32, #tpu.memory_space<hbm>>, %arg5: memref<2x10240x128xf32, #tpu.memory_space<hbm>>, %arg6: memref<80x128xi32, #tpu.memory_space<vmem>>, %arg7: memref<128x128xf32, #tpu.memory_space<vmem>>, %arg8: memref<10240x128xf32, #tpu.memory_space<vmem_shared>>) attributes {dimension_semantics = [#tpu.dimension_semantics<core_parallel>, #tpu.dimension_semantics<subcore_parallel>], iteration_bounds = array<i64: 2, 16>, scalar_prefetch = 0 : i64, scratch_operands = 3 : i64, tpu.core_type = #tpu.core_type<sc_vector_subcore>, window_params = [{transform_indices = #map}, {transform_indices = #map1}, {transform_indices = #map1}, {transform_indices = #map}]} {
    "tpu.region"() ({
      %run_scoped3A = tpu.sem_alloc : memref<!tpu.dma_semaphore, #tpu.memory_space<semaphore_mem>>
      %dma_start3A = arith.constant 0 : i32
      %dma_start3A_13 = arith.constant 0 : i32
      %dma_start3A_14 = tpu.memref_slice %arg2[%arg1, %dma_start3A, %dma_start3A_13] : memref<16x80x128xi32, #tpu.memory_space<hbm>> -> memref<1x80x128xi32, #tpu.memory_space<hbm>>
      %dma_start3A_15 = tpu.memref_squeeze %dma_start3A_14 : memref<1x80x128xi32, #tpu.memory_space<hbm>> -> memref<80x128xi32, #tpu.memory_space<hbm>>
      %dma_start3A_16 = arith.constant 0 : i32
      %dma_start3A_17 = arith.constant 0 : i32
      %dma_start3A_18 = tpu.memref_slice %arg2[%arg1, %dma_start3A_16, %dma_start3A_17] : memref<16x80x128xi32, #tpu.memory_space<hbm>> -> memref<1x80x128xi32, #tpu.memory_space<hbm>>
      %dma_start3A_19 = tpu.memref_squeeze %dma_start3A_18 : memref<1x80x128xi32, #tpu.memory_space<hbm>> -> memref<80x128xi32, #tpu.memory_space<hbm>>
      tpu.enqueue_dma source(%dma_start3A_19 : memref<80x128xi32, #tpu.memory_space<hbm>>) target(%arg6 : memref<80x128xi32, #tpu.memory_space<vmem>>) target_semaphore(%run_scoped3A : memref<!tpu.dma_semaphore, #tpu.memory_space<semaphore_mem>>)
      %dma_wait3A = arith.constant 0 : i32
      %dma_wait3A_20 = arith.constant 0 : i32
      %dma_wait3A_21 = tpu.memref_slice %arg2[%arg1, %dma_wait3A, %dma_wait3A_20] : memref<16x80x128xi32, #tpu.memory_space<hbm>> -> memref<1x80x128xi32, #tpu.memory_space<hbm>>
      %dma_wait3A_22 = tpu.memref_squeeze %dma_wait3A_21 : memref<1x80x128xi32, #tpu.memory_space<hbm>> -> memref<80x128xi32, #tpu.memory_space<hbm>>
      %dma_wait3A_23 = arith.constant 0 : i32
      %dma_wait3A_24 = arith.constant 0 : i32
      %dma_wait3A_25 = tpu.memref_slice %arg2[%arg1, %dma_wait3A_23, %dma_wait3A_24] : memref<16x80x128xi32, #tpu.memory_space<hbm>> -> memref<1x80x128xi32, #tpu.memory_space<hbm>>
      %dma_wait3A_26 = tpu.memref_squeeze %dma_wait3A_25 : memref<1x80x128xi32, #tpu.memory_space<hbm>> -> memref<80x128xi32, #tpu.memory_space<hbm>>
      tpu.wait_dma2 semaphore(%run_scoped3A : memref<!tpu.dma_semaphore, #tpu.memory_space<semaphore_mem>>) src(%dma_wait3A_26 : memref<80x128xi32, #tpu.memory_space<hbm>>) dst(%arg6 : memref<80x128xi32, #tpu.memory_space<vmem>>)
      tpu.yield
    }) : () -> ()
    "tpu.region"() ({
      %run_scoped3A = tpu.sem_alloc : memref<!tpu.dma_semaphore, #tpu.memory_space<semaphore_mem>>
      tpu.enqueue_dma source(%arg3 : memref<128x128xf32, #tpu.memory_space<hbm>>) target(%arg7 : memref<128x128xf32, #tpu.memory_space<vmem>>) target_semaphore(%run_scoped3A : memref<!tpu.dma_semaphore, #tpu.memory_space<semaphore_mem>>)
      tpu.wait_dma2 semaphore(%run_scoped3A : memref<!tpu.dma_semaphore, #tpu.memory_space<semaphore_mem>>) src(%arg3 : memref<128x128xf32, #tpu.memory_space<hbm>>) dst(%arg7 : memref<128x128xf32, #tpu.memory_space<vmem>>)
      tpu.yield
    }) : () -> ()
    %mul3A = arith.constant 640 : i32
    %mul3A_0 = arith.muli %arg1, %mul3A : i32
    %mul3A_1 = arith.constant 640 : i32
    %mul3A_2 = arith.muli %arg1, %mul3A_1 : i32
    "tpu.region"() ({
      %run_scoped3A = tpu.sem_alloc : memref<!tpu.dma_semaphore, #tpu.memory_space<semaphore_mem>>
      %dma_start3A = arith.constant 0 : i32
      %dma_start3A_13 = tpu.memref_slice %arg8[%mul3A_2, %dma_start3A] : memref<10240x128xf32, #tpu.memory_space<vmem_shared>> -> memref<640x128xf32, #tpu.memory_space<vmem_shared>>
      %dma_start3A_14 = arith.constant 0 : i32
      %dma_start3A_15 = tpu.memref_slice %arg4[%mul3A_0, %dma_start3A_14] : memref<10240x128xf32, #tpu.memory_space<hbm>> -> memref<640x128xf32, #tpu.memory_space<hbm>>
      tpu.enqueue_dma source(%dma_start3A_15 : memref<640x128xf32, #tpu.memory_space<hbm>>) target(%dma_start3A_13 : memref<640x128xf32, #tpu.memory_space<vmem_shared>>) target_semaphore(%run_scoped3A : memref<!tpu.dma_semaphore, #tpu.memory_space<semaphore_mem>>)
      %dma_wait3A = arith.constant 0 : i32
      %dma_wait3A_16 = tpu.memref_slice %arg8[%mul3A_2, %dma_wait3A] : memref<10240x128xf32, #tpu.memory_space<vmem_shared>> -> memref<640x128xf32, #tpu.memory_space<vmem_shared>>
      %dma_wait3A_17 = arith.constant 0 : i32
      %dma_wait3A_18 = tpu.memref_slice %arg4[%mul3A_0, %dma_wait3A_17] : memref<10240x128xf32, #tpu.memory_space<hbm>> -> memref<640x128xf32, #tpu.memory_space<hbm>>
      tpu.wait_dma2 semaphore(%run_scoped3A : memref<!tpu.dma_semaphore, #tpu.memory_space<semaphore_mem>>) src(%dma_wait3A_18 : memref<640x128xf32, #tpu.memory_space<hbm>>) dst(%dma_wait3A_16 : memref<640x128xf32, #tpu.memory_space<vmem_shared>>)
      tpu.yield
    }) : () -> ()
    %barrier3A = arith.constant 0 : index
    tpu.barrier barrier_id(%barrier3A)
    %scan3A = arith.constant 0 : i32
    %scan3A_3 = arith.constant 0 : i32
    %scan3A_4 = arith.constant 40 : i32
    %scan3A_5 = arith.addi %scan3A_3, %scan3A_4 : i32
    %scan3A_6 = arith.constant 1 : i32
    scf.for %scan3A_13 = %scan3A_3 to %scan3A_5 step %scan3A_6  : i32 {
      %mul3A_14 = arith.constant 40 : i32
      %mul3A_15 = arith.muli %arg0, %mul3A_14 : i32
      %add3A = arith.addi %mul3A_15, %scan3A_13 : i32
      "tpu.region"() ({
        %run_scoped3A = tpu.sem_alloc : memref<!tpu.dma_semaphore, #tpu.memory_space<semaphore_mem>>
        %dma_start3A = arith.constant 0 : i32
        %dma_start3A_16 = tpu.memref_slice %arg6[%add3A, %dma_start3A] : memref<80x128xi32, #tpu.memory_space<vmem>> -> memref<1x128xi32, #tpu.memory_space<vmem>>
        %dma_start3A_17 = tpu.memref_squeeze %dma_start3A_16 : memref<1x128xi32, #tpu.memory_space<vmem>> -> memref<128xi32, #tpu.memory_space<vmem>>
        %dma_start3A_18 = arith.constant 0 : i32
        %dma_start3A_19 = arith.constant 0 : i32
        %dma_start3A_20 = tpu.memref_slice %arg8[%dma_start3A_18, %dma_start3A_19] : memref<10240x128xf32, #tpu.memory_space<vmem_shared>> -> memref<10240x128xf32, #tpu.memory_space<vmem_shared>>
        tpu.enqueue_indirect_dma source(%arg7 : memref<128x128xf32, #tpu.memory_space<vmem>>) target(%dma_start3A_20 : memref<10240x128xf32, #tpu.memory_space<vmem_shared>>) offsets(%dma_start3A_17 : memref<128xi32, #tpu.memory_space<vmem>>) semaphore(%run_scoped3A : memref<!tpu.dma_semaphore, #tpu.memory_space<semaphore_mem>>) {add = true}
        %dma_wait3A = arith.constant 0 : i32
        %dma_wait3A_21 = tpu.memref_slice %arg6[%add3A, %dma_wait3A] : memref<80x128xi32, #tpu.memory_space<vmem>> -> memref<1x128xi32, #tpu.memory_space<vmem>>
        %dma_wait3A_22 = tpu.memref_squeeze %dma_wait3A_21 : memref<1x128xi32, #tpu.memory_space<vmem>> -> memref<128xi32, #tpu.memory_space<vmem>>
        %dma_wait3A_23 = arith.constant 0 : i32
        %dma_wait3A_24 = arith.constant 0 : i32
        %dma_wait3A_25 = tpu.memref_slice %arg8[%dma_wait3A_23, %dma_wait3A_24] : memref<10240x128xf32, #tpu.memory_space<vmem_shared>> -> memref<10240x128xf32, #tpu.memory_space<vmem_shared>>
        tpu.wait_indirect_dma semaphore(%run_scoped3A : memref<!tpu.dma_semaphore, #tpu.memory_space<semaphore_mem>>) src(%arg7 : memref<128x128xf32, #tpu.memory_space<vmem>>) dst(%dma_wait3A_25 : memref<10240x128xf32, #tpu.memory_space<vmem_shared>>)
        tpu.yield
      }) : () -> ()
    }
    %scan3A_7 = arith.constant 40 : i32
    %barrier3A_8 = arith.constant 0 : index
    tpu.barrier barrier_id(%barrier3A_8)
    %mul3A_9 = arith.constant 640 : i32
    %mul3A_10 = arith.muli %arg1, %mul3A_9 : i32
    %mul3A_11 = arith.constant 640 : i32
    %mul3A_12 = arith.muli %arg1, %mul3A_11 : i32
    "tpu.region"() ({
      %run_scoped3A = tpu.sem_alloc : memref<!tpu.dma_semaphore, #tpu.memory_space<semaphore_mem>>
      %dma_start3A = arith.constant 0 : i32
      %dma_start3A_13 = tpu.memref_slice %arg5[%arg0, %mul3A_12, %dma_start3A] : memref<2x10240x128xf32, #tpu.memory_space<hbm>> -> memref<1x640x128xf32, #tpu.memory_space<hbm>>
      %dma_start3A_14 = tpu.memref_squeeze %dma_start3A_13 : memref<1x640x128xf32, #tpu.memory_space<hbm>> -> memref<640x128xf32, #tpu.memory_space<hbm>>
      %dma_start3A_15 = arith.constant 0 : i32
      %dma_start3A_16 = tpu.memref_slice %arg8[%mul3A_10, %dma_start3A_15] : memref<10240x128xf32, #tpu.memory_space<vmem_shared>> -> memref<640x128xf32, #tpu.memory_space<vmem_shared>>
      tpu.enqueue_dma source(%dma_start3A_16 : memref<640x128xf32, #tpu.memory_space<vmem_shared>>) target(%dma_start3A_14 : memref<640x128xf32, #tpu.memory_space<hbm>>) target_semaphore(%run_scoped3A : memref<!tpu.dma_semaphore, #tpu.memory_space<semaphore_mem>>)
      %dma_wait3A = arith.constant 0 : i32
      %dma_wait3A_17 = tpu.memref_slice %arg5[%arg0, %mul3A_12, %dma_wait3A] : memref<2x10240x128xf32, #tpu.memory_space<hbm>> -> memref<1x640x128xf32, #tpu.memory_space<hbm>>
      %dma_wait3A_18 = tpu.memref_squeeze %dma_wait3A_17 : memref<1x640x128xf32, #tpu.memory_space<hbm>> -> memref<640x128xf32, #tpu.memory_space<hbm>>
      %dma_wait3A_19 = arith.constant 0 : i32
      %dma_wait3A_20 = tpu.memref_slice %arg8[%mul3A_10, %dma_wait3A_19] : memref<10240x128xf32, #tpu.memory_space<vmem_shared>> -> memref<640x128xf32, #tpu.memory_space<vmem_shared>>
      tpu.wait_dma2 semaphore(%run_scoped3A : memref<!tpu.dma_semaphore, #tpu.memory_space<semaphore_mem>>) src(%dma_wait3A_20 : memref<640x128xf32, #tpu.memory_space<vmem_shared>>) dst(%dma_wait3A_18 : memref<640x128xf32, #tpu.memory_space<hbm>>)
      tpu.yield
    }) : () -> ()
    return
  }
}

#map = affine_map<(d0, d1) -> (0, 0)>
#map1 = affine_map<(d0, d1) -> (0, 0, 0, 0)>
#map2 = affine_map<(d0, d1) -> (0, 0, 0)>
module attributes {stable_mosaic.version = 14 : i64} {
  func.func @edge_kernel(%arg0: i32, %arg1: i32, %arg2: memref<20480x128xf32, #tpu.memory_space<hbm>>, %arg3: memref<2x16x80x128xi32, #tpu.memory_space<hbm>>, %arg4: memref<16x80x128xi32, #tpu.memory_space<hbm>>, %arg5: memref<10240x128xf32, #tpu.memory_space<hbm>>, %arg6: memref<2x10240x128xf32, #tpu.memory_space<hbm>>, %arg7: memref<80x128xi32, #tpu.memory_space<vmem>>, %arg8: memref<80x128xi32, #tpu.memory_space<vmem>>, %arg9: memref<128x128xf32, #tpu.memory_space<vmem>>, %arg10: memref<10240x128xf32, #tpu.memory_space<vmem_shared>>) attributes {dimension_semantics = [#tpu.dimension_semantics<core_parallel>, #tpu.dimension_semantics<subcore_parallel>], iteration_bounds = array<i64: 2, 16>, scalar_prefetch = 0 : i64, scratch_operands = 4 : i64, tpu.core_type = #tpu.core_type<sc_vector_subcore>, window_params = [{transform_indices = #map}, {transform_indices = #map1}, {transform_indices = #map2}, {transform_indices = #map}, {transform_indices = #map2}]} {
    "tpu.region"() ({
      %run_scoped3A = tpu.sem_alloc : memref<!tpu.dma_semaphore, #tpu.memory_space<semaphore_mem>>
      %dma_start3A = arith.constant 0 : i32
      %dma_start3A_13 = arith.constant 0 : i32
      %dma_start3A_14 = tpu.memref_slice %arg3[%arg0, %arg1, %dma_start3A, %dma_start3A_13] : memref<2x16x80x128xi32, #tpu.memory_space<hbm>> -> memref<1x1x80x128xi32, #tpu.memory_space<hbm>>
      %dma_start3A_15 = tpu.memref_squeeze %dma_start3A_14 : memref<1x1x80x128xi32, #tpu.memory_space<hbm>> -> memref<80x128xi32, #tpu.memory_space<hbm>>
      %dma_start3A_16 = arith.constant 0 : i32
      %dma_start3A_17 = arith.constant 0 : i32
      %dma_start3A_18 = tpu.memref_slice %arg3[%arg0, %arg1, %dma_start3A_16, %dma_start3A_17] : memref<2x16x80x128xi32, #tpu.memory_space<hbm>> -> memref<1x1x80x128xi32, #tpu.memory_space<hbm>>
      %dma_start3A_19 = tpu.memref_squeeze %dma_start3A_18 : memref<1x1x80x128xi32, #tpu.memory_space<hbm>> -> memref<80x128xi32, #tpu.memory_space<hbm>>
      tpu.enqueue_dma source(%dma_start3A_19 : memref<80x128xi32, #tpu.memory_space<hbm>>) target(%arg7 : memref<80x128xi32, #tpu.memory_space<vmem>>) target_semaphore(%run_scoped3A : memref<!tpu.dma_semaphore, #tpu.memory_space<semaphore_mem>>)
      %dma_wait3A = arith.constant 0 : i32
      %dma_wait3A_20 = arith.constant 0 : i32
      %dma_wait3A_21 = tpu.memref_slice %arg3[%arg0, %arg1, %dma_wait3A, %dma_wait3A_20] : memref<2x16x80x128xi32, #tpu.memory_space<hbm>> -> memref<1x1x80x128xi32, #tpu.memory_space<hbm>>
      %dma_wait3A_22 = tpu.memref_squeeze %dma_wait3A_21 : memref<1x1x80x128xi32, #tpu.memory_space<hbm>> -> memref<80x128xi32, #tpu.memory_space<hbm>>
      %dma_wait3A_23 = arith.constant 0 : i32
      %dma_wait3A_24 = arith.constant 0 : i32
      %dma_wait3A_25 = tpu.memref_slice %arg3[%arg0, %arg1, %dma_wait3A_23, %dma_wait3A_24] : memref<2x16x80x128xi32, #tpu.memory_space<hbm>> -> memref<1x1x80x128xi32, #tpu.memory_space<hbm>>
      %dma_wait3A_26 = tpu.memref_squeeze %dma_wait3A_25 : memref<1x1x80x128xi32, #tpu.memory_space<hbm>> -> memref<80x128xi32, #tpu.memory_space<hbm>>
      tpu.wait_dma2 semaphore(%run_scoped3A : memref<!tpu.dma_semaphore, #tpu.memory_space<semaphore_mem>>) src(%dma_wait3A_26 : memref<80x128xi32, #tpu.memory_space<hbm>>) dst(%arg7 : memref<80x128xi32, #tpu.memory_space<vmem>>)
      tpu.yield
    }) : () -> ()
    "tpu.region"() ({
      %run_scoped3A = tpu.sem_alloc : memref<!tpu.dma_semaphore, #tpu.memory_space<semaphore_mem>>
      %dma_start3A = arith.constant 0 : i32
      %dma_start3A_13 = arith.constant 0 : i32
      %dma_start3A_14 = tpu.memref_slice %arg4[%arg1, %dma_start3A, %dma_start3A_13] : memref<16x80x128xi32, #tpu.memory_space<hbm>> -> memref<1x80x128xi32, #tpu.memory_space<hbm>>
      %dma_start3A_15 = tpu.memref_squeeze %dma_start3A_14 : memref<1x80x128xi32, #tpu.memory_space<hbm>> -> memref<80x128xi32, #tpu.memory_space<hbm>>
      %dma_start3A_16 = arith.constant 0 : i32
      %dma_start3A_17 = arith.constant 0 : i32
      %dma_start3A_18 = tpu.memref_slice %arg4[%arg1, %dma_start3A_16, %dma_start3A_17] : memref<16x80x128xi32, #tpu.memory_space<hbm>> -> memref<1x80x128xi32, #tpu.memory_space<hbm>>
      %dma_start3A_19 = tpu.memref_squeeze %dma_start3A_18 : memref<1x80x128xi32, #tpu.memory_space<hbm>> -> memref<80x128xi32, #tpu.memory_space<hbm>>
      tpu.enqueue_dma source(%dma_start3A_19 : memref<80x128xi32, #tpu.memory_space<hbm>>) target(%arg8 : memref<80x128xi32, #tpu.memory_space<vmem>>) target_semaphore(%run_scoped3A : memref<!tpu.dma_semaphore, #tpu.memory_space<semaphore_mem>>)
      %dma_wait3A = arith.constant 0 : i32
      %dma_wait3A_20 = arith.constant 0 : i32
      %dma_wait3A_21 = tpu.memref_slice %arg4[%arg1, %dma_wait3A, %dma_wait3A_20] : memref<16x80x128xi32, #tpu.memory_space<hbm>> -> memref<1x80x128xi32, #tpu.memory_space<hbm>>
      %dma_wait3A_22 = tpu.memref_squeeze %dma_wait3A_21 : memref<1x80x128xi32, #tpu.memory_space<hbm>> -> memref<80x128xi32, #tpu.memory_space<hbm>>
      %dma_wait3A_23 = arith.constant 0 : i32
      %dma_wait3A_24 = arith.constant 0 : i32
      %dma_wait3A_25 = tpu.memref_slice %arg4[%arg1, %dma_wait3A_23, %dma_wait3A_24] : memref<16x80x128xi32, #tpu.memory_space<hbm>> -> memref<1x80x128xi32, #tpu.memory_space<hbm>>
      %dma_wait3A_26 = tpu.memref_squeeze %dma_wait3A_25 : memref<1x80x128xi32, #tpu.memory_space<hbm>> -> memref<80x128xi32, #tpu.memory_space<hbm>>
      tpu.wait_dma2 semaphore(%run_scoped3A : memref<!tpu.dma_semaphore, #tpu.memory_space<semaphore_mem>>) src(%dma_wait3A_26 : memref<80x128xi32, #tpu.memory_space<hbm>>) dst(%arg8 : memref<80x128xi32, #tpu.memory_space<vmem>>)
      tpu.yield
    }) : () -> ()
    %mul3A = arith.constant 640 : i32
    %mul3A_0 = arith.muli %arg1, %mul3A : i32
    %mul3A_1 = arith.constant 640 : i32
    %mul3A_2 = arith.muli %arg1, %mul3A_1 : i32
    "tpu.region"() ({
      %run_scoped3A = tpu.sem_alloc : memref<!tpu.dma_semaphore, #tpu.memory_space<semaphore_mem>>
      %dma_start3A = arith.constant 0 : i32
      %dma_start3A_13 = tpu.memref_slice %arg10[%mul3A_2, %dma_start3A] : memref<10240x128xf32, #tpu.memory_space<vmem_shared>> -> memref<640x128xf32, #tpu.memory_space<vmem_shared>>
      %dma_start3A_14 = arith.constant 0 : i32
      %dma_start3A_15 = tpu.memref_slice %arg5[%mul3A_0, %dma_start3A_14] : memref<10240x128xf32, #tpu.memory_space<hbm>> -> memref<640x128xf32, #tpu.memory_space<hbm>>
      tpu.enqueue_dma source(%dma_start3A_15 : memref<640x128xf32, #tpu.memory_space<hbm>>) target(%dma_start3A_13 : memref<640x128xf32, #tpu.memory_space<vmem_shared>>) target_semaphore(%run_scoped3A : memref<!tpu.dma_semaphore, #tpu.memory_space<semaphore_mem>>)
      %dma_wait3A = arith.constant 0 : i32
      %dma_wait3A_16 = tpu.memref_slice %arg10[%mul3A_2, %dma_wait3A] : memref<10240x128xf32, #tpu.memory_space<vmem_shared>> -> memref<640x128xf32, #tpu.memory_space<vmem_shared>>
      %dma_wait3A_17 = arith.constant 0 : i32
      %dma_wait3A_18 = tpu.memref_slice %arg5[%mul3A_0, %dma_wait3A_17] : memref<10240x128xf32, #tpu.memory_space<hbm>> -> memref<640x128xf32, #tpu.memory_space<hbm>>
      tpu.wait_dma2 semaphore(%run_scoped3A : memref<!tpu.dma_semaphore, #tpu.memory_space<semaphore_mem>>) src(%dma_wait3A_18 : memref<640x128xf32, #tpu.memory_space<hbm>>) dst(%dma_wait3A_16 : memref<640x128xf32, #tpu.memory_space<vmem_shared>>)
      tpu.yield
    }) : () -> ()
    %barrier3A = arith.constant 0 : index
    tpu.barrier barrier_id(%barrier3A)
    %scan3A = arith.constant 0 : i32
    %scan3A_3 = arith.constant 0 : i32
    %scan3A_4 = arith.constant 80 : i32
    %scan3A_5 = arith.addi %scan3A_3, %scan3A_4 : i32
    %scan3A_6 = arith.constant 1 : i32
    scf.for %scan3A_13 = %scan3A_3 to %scan3A_5 step %scan3A_6  : i32 {
      "tpu.region"() ({
        %run_scoped3A = tpu.sem_alloc : memref<!tpu.dma_semaphore, #tpu.memory_space<semaphore_mem>>
        %dma_start3A = arith.constant 0 : i32
        %dma_start3A_14 = tpu.memref_slice %arg7[%scan3A_13, %dma_start3A] : memref<80x128xi32, #tpu.memory_space<vmem>> -> memref<1x128xi32, #tpu.memory_space<vmem>>
        %dma_start3A_15 = tpu.memref_squeeze %dma_start3A_14 : memref<1x128xi32, #tpu.memory_space<vmem>> -> memref<128xi32, #tpu.memory_space<vmem>>
        %dma_start3A_16 = arith.constant 0 : i32
        %dma_start3A_17 = arith.constant 0 : i32
        %dma_start3A_18 = tpu.memref_slice %arg2[%dma_start3A_16, %dma_start3A_17] : memref<20480x128xf32, #tpu.memory_space<hbm>> -> memref<20480x128xf32, #tpu.memory_space<hbm>>
        tpu.enqueue_indirect_dma source(%dma_start3A_18 : memref<20480x128xf32, #tpu.memory_space<hbm>>) target(%arg9 : memref<128x128xf32, #tpu.memory_space<vmem>>) offsets(%dma_start3A_15 : memref<128xi32, #tpu.memory_space<vmem>>) semaphore(%run_scoped3A : memref<!tpu.dma_semaphore, #tpu.memory_space<semaphore_mem>>)
        %dma_wait3A = arith.constant 0 : i32
        %dma_wait3A_19 = tpu.memref_slice %arg7[%scan3A_13, %dma_wait3A] : memref<80x128xi32, #tpu.memory_space<vmem>> -> memref<1x128xi32, #tpu.memory_space<vmem>>
        %dma_wait3A_20 = tpu.memref_squeeze %dma_wait3A_19 : memref<1x128xi32, #tpu.memory_space<vmem>> -> memref<128xi32, #tpu.memory_space<vmem>>
        %dma_wait3A_21 = arith.constant 0 : i32
        %dma_wait3A_22 = arith.constant 0 : i32
        %dma_wait3A_23 = tpu.memref_slice %arg2[%dma_wait3A_21, %dma_wait3A_22] : memref<20480x128xf32, #tpu.memory_space<hbm>> -> memref<20480x128xf32, #tpu.memory_space<hbm>>
        tpu.wait_indirect_dma semaphore(%run_scoped3A : memref<!tpu.dma_semaphore, #tpu.memory_space<semaphore_mem>>) src(%dma_wait3A_23 : memref<20480x128xf32, #tpu.memory_space<hbm>>) dst(%arg9 : memref<128x128xf32, #tpu.memory_space<vmem>>)
        tpu.yield
      }) : () -> ()
      "tpu.region"() ({
        %run_scoped3A = tpu.sem_alloc : memref<!tpu.dma_semaphore, #tpu.memory_space<semaphore_mem>>
        %dma_start3A = arith.constant 0 : i32
        %dma_start3A_14 = tpu.memref_slice %arg8[%scan3A_13, %dma_start3A] : memref<80x128xi32, #tpu.memory_space<vmem>> -> memref<1x128xi32, #tpu.memory_space<vmem>>
        %dma_start3A_15 = tpu.memref_squeeze %dma_start3A_14 : memref<1x128xi32, #tpu.memory_space<vmem>> -> memref<128xi32, #tpu.memory_space<vmem>>
        %dma_start3A_16 = arith.constant 0 : i32
        %dma_start3A_17 = arith.constant 0 : i32
        %dma_start3A_18 = tpu.memref_slice %arg10[%dma_start3A_16, %dma_start3A_17] : memref<10240x128xf32, #tpu.memory_space<vmem_shared>> -> memref<10240x128xf32, #tpu.memory_space<vmem_shared>>
        tpu.enqueue_indirect_dma source(%arg9 : memref<128x128xf32, #tpu.memory_space<vmem>>) target(%dma_start3A_18 : memref<10240x128xf32, #tpu.memory_space<vmem_shared>>) offsets(%dma_start3A_15 : memref<128xi32, #tpu.memory_space<vmem>>) semaphore(%run_scoped3A : memref<!tpu.dma_semaphore, #tpu.memory_space<semaphore_mem>>) {add = true}
        %dma_wait3A = arith.constant 0 : i32
        %dma_wait3A_19 = tpu.memref_slice %arg8[%scan3A_13, %dma_wait3A] : memref<80x128xi32, #tpu.memory_space<vmem>> -> memref<1x128xi32, #tpu.memory_space<vmem>>
        %dma_wait3A_20 = tpu.memref_squeeze %dma_wait3A_19 : memref<1x128xi32, #tpu.memory_space<vmem>> -> memref<128xi32, #tpu.memory_space<vmem>>
        %dma_wait3A_21 = arith.constant 0 : i32
        %dma_wait3A_22 = arith.constant 0 : i32
        %dma_wait3A_23 = tpu.memref_slice %arg10[%dma_wait3A_21, %dma_wait3A_22] : memref<10240x128xf32, #tpu.memory_space<vmem_shared>> -> memref<10240x128xf32, #tpu.memory_space<vmem_shared>>
        tpu.wait_indirect_dma semaphore(%run_scoped3A : memref<!tpu.dma_semaphore, #tpu.memory_space<semaphore_mem>>) src(%arg9 : memref<128x128xf32, #tpu.memory_space<vmem>>) dst(%dma_wait3A_23 : memref<10240x128xf32, #tpu.memory_space<vmem_shared>>)
        tpu.yield
      }) : () -> ()
    }
    %scan3A_7 = arith.constant 80 : i32
    %barrier3A_8 = arith.constant 0 : index
    tpu.barrier barrier_id(%barrier3A_8)
    %mul3A_9 = arith.constant 640 : i32
    %mul3A_10 = arith.muli %arg1, %mul3A_9 : i32
    %mul3A_11 = arith.constant 640 : i32
    %mul3A_12 = arith.muli %arg1, %mul3A_11 : i32
    "tpu.region"() ({
      %run_scoped3A = tpu.sem_alloc : memref<!tpu.dma_semaphore, #tpu.memory_space<semaphore_mem>>
      %dma_start3A = arith.constant 0 : i32
      %dma_start3A_13 = tpu.memref_slice %arg6[%arg0, %mul3A_12, %dma_start3A] : memref<2x10240x128xf32, #tpu.memory_space<hbm>> -> memref<1x640x128xf32, #tpu.memory_space<hbm>>
      %dma_start3A_14 = tpu.memref_squeeze %dma_start3A_13 : memref<1x640x128xf32, #tpu.memory_space<hbm>> -> memref<640x128xf32, #tpu.memory_space<hbm>>
      %dma_start3A_15 = arith.constant 0 : i32
      %dma_start3A_16 = tpu.memref_slice %arg10[%mul3A_10, %dma_start3A_15] : memref<10240x128xf32, #tpu.memory_space<vmem_shared>> -> memref<640x128xf32, #tpu.memory_space<vmem_shared>>
      tpu.enqueue_dma source(%dma_start3A_16 : memref<640x128xf32, #tpu.memory_space<vmem_shared>>) target(%dma_start3A_14 : memref<640x128xf32, #tpu.memory_space<hbm>>) target_semaphore(%run_scoped3A : memref<!tpu.dma_semaphore, #tpu.memory_space<semaphore_mem>>)
      %dma_wait3A = arith.constant 0 : i32
      %dma_wait3A_17 = tpu.memref_slice %arg6[%arg0, %mul3A_12, %dma_wait3A] : memref<2x10240x128xf32, #tpu.memory_space<hbm>> -> memref<1x640x128xf32, #tpu.memory_space<hbm>>
      %dma_wait3A_18 = tpu.memref_squeeze %dma_wait3A_17 : memref<1x640x128xf32, #tpu.memory_space<hbm>> -> memref<640x128xf32, #tpu.memory_space<hbm>>
      %dma_wait3A_19 = arith.constant 0 : i32
      %dma_wait3A_20 = tpu.memref_slice %arg10[%mul3A_10, %dma_wait3A_19] : memref<10240x128xf32, #tpu.memory_space<vmem_shared>> -> memref<640x128xf32, #tpu.memory_space<vmem_shared>>
      tpu.wait_dma2 semaphore(%run_scoped3A : memref<!tpu.dma_semaphore, #tpu.memory_space<semaphore_mem>>) src(%dma_wait3A_20 : memref<640x128xf32, #tpu.memory_space<vmem_shared>>) dst(%dma_wait3A_18 : memref<640x128xf32, #tpu.memory_space<hbm>>)
      tpu.yield
    }) : () -> ()
    return
  }
}

#map = affine_map<(d0, d1) -> (0, 0)>
#map1 = affine_map<(d0, d1) -> (0, 0, 0, 0)>
#map2 = affine_map<(d0, d1) -> (0, 0, 0)>
module attributes {stable_mosaic.version = 14 : i64} {
  func.func @edge_kernel(%arg0: i32, %arg1: i32, %arg2: memref<20480x128xf32, #tpu.memory_space<hbm>>, %arg3: memref<2x16x80x128xi32, #tpu.memory_space<hbm>>, %arg4: memref<16x80x128xi32, #tpu.memory_space<hbm>>, %arg5: memref<10240x128xf32, #tpu.memory_space<hbm>>, %arg6: memref<2x10240x128xf32, #tpu.memory_space<hbm>>, %arg7: memref<80x128xi32, #tpu.memory_space<vmem>>, %arg8: memref<80x128xi32, #tpu.memory_space<vmem>>, %arg9: memref<128x128xf32, #tpu.memory_space<vmem>>, %arg10: memref<10240x128xf32, #tpu.memory_space<vmem_shared>>) attributes {dimension_semantics = [#tpu.dimension_semantics<core_parallel>, #tpu.dimension_semantics<subcore_parallel>], iteration_bounds = array<i64: 2, 16>, scalar_prefetch = 0 : i64, scratch_operands = 4 : i64, tpu.core_type = #tpu.core_type<sc_vector_subcore>, window_params = [{transform_indices = #map}, {transform_indices = #map1}, {transform_indices = #map2}, {transform_indices = #map}, {transform_indices = #map2}]} {
    "tpu.region"() ({
      %run_scoped3A = tpu.sem_alloc : memref<!tpu.dma_semaphore, #tpu.memory_space<semaphore_mem>>
      %dma_start3A = arith.constant 0 : i32
      %dma_start3A_13 = arith.constant 0 : i32
      %dma_start3A_14 = tpu.memref_slice %arg3[%arg0, %arg1, %dma_start3A, %dma_start3A_13] : memref<2x16x80x128xi32, #tpu.memory_space<hbm>> -> memref<1x1x80x128xi32, #tpu.memory_space<hbm>>
      %dma_start3A_15 = tpu.memref_squeeze %dma_start3A_14 : memref<1x1x80x128xi32, #tpu.memory_space<hbm>> -> memref<80x128xi32, #tpu.memory_space<hbm>>
      %dma_start3A_16 = arith.constant 0 : i32
      %dma_start3A_17 = arith.constant 0 : i32
      %dma_start3A_18 = tpu.memref_slice %arg3[%arg0, %arg1, %dma_start3A_16, %dma_start3A_17] : memref<2x16x80x128xi32, #tpu.memory_space<hbm>> -> memref<1x1x80x128xi32, #tpu.memory_space<hbm>>
      %dma_start3A_19 = tpu.memref_squeeze %dma_start3A_18 : memref<1x1x80x128xi32, #tpu.memory_space<hbm>> -> memref<80x128xi32, #tpu.memory_space<hbm>>
      tpu.enqueue_dma source(%dma_start3A_19 : memref<80x128xi32, #tpu.memory_space<hbm>>) target(%arg7 : memref<80x128xi32, #tpu.memory_space<vmem>>) target_semaphore(%run_scoped3A : memref<!tpu.dma_semaphore, #tpu.memory_space<semaphore_mem>>)
      %dma_wait3A = arith.constant 0 : i32
      %dma_wait3A_20 = arith.constant 0 : i32
      %dma_wait3A_21 = tpu.memref_slice %arg3[%arg0, %arg1, %dma_wait3A, %dma_wait3A_20] : memref<2x16x80x128xi32, #tpu.memory_space<hbm>> -> memref<1x1x80x128xi32, #tpu.memory_space<hbm>>
      %dma_wait3A_22 = tpu.memref_squeeze %dma_wait3A_21 : memref<1x1x80x128xi32, #tpu.memory_space<hbm>> -> memref<80x128xi32, #tpu.memory_space<hbm>>
      %dma_wait3A_23 = arith.constant 0 : i32
      %dma_wait3A_24 = arith.constant 0 : i32
      %dma_wait3A_25 = tpu.memref_slice %arg3[%arg0, %arg1, %dma_wait3A_23, %dma_wait3A_24] : memref<2x16x80x128xi32, #tpu.memory_space<hbm>> -> memref<1x1x80x128xi32, #tpu.memory_space<hbm>>
      %dma_wait3A_26 = tpu.memref_squeeze %dma_wait3A_25 : memref<1x1x80x128xi32, #tpu.memory_space<hbm>> -> memref<80x128xi32, #tpu.memory_space<hbm>>
      tpu.wait_dma2 semaphore(%run_scoped3A : memref<!tpu.dma_semaphore, #tpu.memory_space<semaphore_mem>>) src(%dma_wait3A_26 : memref<80x128xi32, #tpu.memory_space<hbm>>) dst(%arg7 : memref<80x128xi32, #tpu.memory_space<vmem>>)
      tpu.yield
    }) : () -> ()
    "tpu.region"() ({
      %run_scoped3A = tpu.sem_alloc : memref<!tpu.dma_semaphore, #tpu.memory_space<semaphore_mem>>
      %dma_start3A = arith.constant 0 : i32
      %dma_start3A_13 = arith.constant 0 : i32
      %dma_start3A_14 = tpu.memref_slice %arg4[%arg1, %dma_start3A, %dma_start3A_13] : memref<16x80x128xi32, #tpu.memory_space<hbm>> -> memref<1x80x128xi32, #tpu.memory_space<hbm>>
      %dma_start3A_15 = tpu.memref_squeeze %dma_start3A_14 : memref<1x80x128xi32, #tpu.memory_space<hbm>> -> memref<80x128xi32, #tpu.memory_space<hbm>>
      %dma_start3A_16 = arith.constant 0 : i32
      %dma_start3A_17 = arith.constant 0 : i32
      %dma_start3A_18 = tpu.memref_slice %arg4[%arg1, %dma_start3A_16, %dma_start3A_17] : memref<16x80x128xi32, #tpu.memory_space<hbm>> -> memref<1x80x128xi32, #tpu.memory_space<hbm>>
      %dma_start3A_19 = tpu.memref_squeeze %dma_start3A_18 : memref<1x80x128xi32, #tpu.memory_space<hbm>> -> memref<80x128xi32, #tpu.memory_space<hbm>>
      tpu.enqueue_dma source(%dma_start3A_19 : memref<80x128xi32, #tpu.memory_space<hbm>>) target(%arg8 : memref<80x128xi32, #tpu.memory_space<vmem>>) target_semaphore(%run_scoped3A : memref<!tpu.dma_semaphore, #tpu.memory_space<semaphore_mem>>)
      %dma_wait3A = arith.constant 0 : i32
      %dma_wait3A_20 = arith.constant 0 : i32
      %dma_wait3A_21 = tpu.memref_slice %arg4[%arg1, %dma_wait3A, %dma_wait3A_20] : memref<16x80x128xi32, #tpu.memory_space<hbm>> -> memref<1x80x128xi32, #tpu.memory_space<hbm>>
      %dma_wait3A_22 = tpu.memref_squeeze %dma_wait3A_21 : memref<1x80x128xi32, #tpu.memory_space<hbm>> -> memref<80x128xi32, #tpu.memory_space<hbm>>
      %dma_wait3A_23 = arith.constant 0 : i32
      %dma_wait3A_24 = arith.constant 0 : i32
      %dma_wait3A_25 = tpu.memref_slice %arg4[%arg1, %dma_wait3A_23, %dma_wait3A_24] : memref<16x80x128xi32, #tpu.memory_space<hbm>> -> memref<1x80x128xi32, #tpu.memory_space<hbm>>
      %dma_wait3A_26 = tpu.memref_squeeze %dma_wait3A_25 : memref<1x80x128xi32, #tpu.memory_space<hbm>> -> memref<80x128xi32, #tpu.memory_space<hbm>>
      tpu.wait_dma2 semaphore(%run_scoped3A : memref<!tpu.dma_semaphore, #tpu.memory_space<semaphore_mem>>) src(%dma_wait3A_26 : memref<80x128xi32, #tpu.memory_space<hbm>>) dst(%arg8 : memref<80x128xi32, #tpu.memory_space<vmem>>)
      tpu.yield
    }) : () -> ()
    %mul3A = arith.constant 640 : i32
    %mul3A_0 = arith.muli %arg1, %mul3A : i32
    %mul3A_1 = arith.constant 640 : i32
    %mul3A_2 = arith.muli %arg1, %mul3A_1 : i32
    "tpu.region"() ({
      %run_scoped3A = tpu.sem_alloc : memref<!tpu.dma_semaphore, #tpu.memory_space<semaphore_mem>>
      %dma_start3A = arith.constant 0 : i32
      %dma_start3A_13 = tpu.memref_slice %arg10[%mul3A_2, %dma_start3A] : memref<10240x128xf32, #tpu.memory_space<vmem_shared>> -> memref<640x128xf32, #tpu.memory_space<vmem_shared>>
      %dma_start3A_14 = arith.constant 0 : i32
      %dma_start3A_15 = tpu.memref_slice %arg5[%mul3A_0, %dma_start3A_14] : memref<10240x128xf32, #tpu.memory_space<hbm>> -> memref<640x128xf32, #tpu.memory_space<hbm>>
      tpu.enqueue_dma source(%dma_start3A_15 : memref<640x128xf32, #tpu.memory_space<hbm>>) target(%dma_start3A_13 : memref<640x128xf32, #tpu.memory_space<vmem_shared>>) target_semaphore(%run_scoped3A : memref<!tpu.dma_semaphore, #tpu.memory_space<semaphore_mem>>)
      %dma_wait3A = arith.constant 0 : i32
      %dma_wait3A_16 = tpu.memref_slice %arg10[%mul3A_2, %dma_wait3A] : memref<10240x128xf32, #tpu.memory_space<vmem_shared>> -> memref<640x128xf32, #tpu.memory_space<vmem_shared>>
      %dma_wait3A_17 = arith.constant 0 : i32
      %dma_wait3A_18 = tpu.memref_slice %arg5[%mul3A_0, %dma_wait3A_17] : memref<10240x128xf32, #tpu.memory_space<hbm>> -> memref<640x128xf32, #tpu.memory_space<hbm>>
      tpu.wait_dma2 semaphore(%run_scoped3A : memref<!tpu.dma_semaphore, #tpu.memory_space<semaphore_mem>>) src(%dma_wait3A_18 : memref<640x128xf32, #tpu.memory_space<hbm>>) dst(%dma_wait3A_16 : memref<640x128xf32, #tpu.memory_space<vmem_shared>>)
      tpu.yield
    }) : () -> ()
    %barrier3A = arith.constant 0 : index
    tpu.barrier barrier_id(%barrier3A)
    %scan3A = arith.constant 0 : i32
    %scan3A_3 = arith.constant 0 : i32
    %scan3A_4 = arith.constant 80 : i32
    %scan3A_5 = arith.addi %scan3A_3, %scan3A_4 : i32
    %scan3A_6 = arith.constant 1 : i32
    scf.for %scan3A_13 = %scan3A_3 to %scan3A_5 step %scan3A_6  : i32 {
      "tpu.region"() ({
        %run_scoped3A = tpu.sem_alloc : memref<!tpu.dma_semaphore, #tpu.memory_space<semaphore_mem>>
        %dma_start3A = arith.constant 0 : i32
        %dma_start3A_14 = tpu.memref_slice %arg7[%scan3A_13, %dma_start3A] : memref<80x128xi32, #tpu.memory_space<vmem>> -> memref<1x128xi32, #tpu.memory_space<vmem>>
        %dma_start3A_15 = tpu.memref_squeeze %dma_start3A_14 : memref<1x128xi32, #tpu.memory_space<vmem>> -> memref<128xi32, #tpu.memory_space<vmem>>
        %dma_start3A_16 = arith.constant 0 : i32
        %dma_start3A_17 = arith.constant 0 : i32
        %dma_start3A_18 = tpu.memref_slice %arg2[%dma_start3A_16, %dma_start3A_17] : memref<20480x128xf32, #tpu.memory_space<hbm>> -> memref<20480x128xf32, #tpu.memory_space<hbm>>
        tpu.enqueue_indirect_dma source(%dma_start3A_18 : memref<20480x128xf32, #tpu.memory_space<hbm>>) target(%arg9 : memref<128x128xf32, #tpu.memory_space<vmem>>) offsets(%dma_start3A_15 : memref<128xi32, #tpu.memory_space<vmem>>) semaphore(%run_scoped3A : memref<!tpu.dma_semaphore, #tpu.memory_space<semaphore_mem>>)
        %dma_wait3A = arith.constant 0 : i32
        %dma_wait3A_19 = tpu.memref_slice %arg7[%scan3A_13, %dma_wait3A] : memref<80x128xi32, #tpu.memory_space<vmem>> -> memref<1x128xi32, #tpu.memory_space<vmem>>
        %dma_wait3A_20 = tpu.memref_squeeze %dma_wait3A_19 : memref<1x128xi32, #tpu.memory_space<vmem>> -> memref<128xi32, #tpu.memory_space<vmem>>
        %dma_wait3A_21 = arith.constant 0 : i32
        %dma_wait3A_22 = arith.constant 0 : i32
        %dma_wait3A_23 = tpu.memref_slice %arg2[%dma_wait3A_21, %dma_wait3A_22] : memref<20480x128xf32, #tpu.memory_space<hbm>> -> memref<20480x128xf32, #tpu.memory_space<hbm>>
        tpu.wait_indirect_dma semaphore(%run_scoped3A : memref<!tpu.dma_semaphore, #tpu.memory_space<semaphore_mem>>) src(%dma_wait3A_23 : memref<20480x128xf32, #tpu.memory_space<hbm>>) dst(%arg9 : memref<128x128xf32, #tpu.memory_space<vmem>>)
        tpu.yield
      }) : () -> ()
      "tpu.region"() ({
        %run_scoped3A = tpu.sem_alloc : memref<!tpu.dma_semaphore, #tpu.memory_space<semaphore_mem>>
        %dma_start3A = arith.constant 0 : i32
        %dma_start3A_14 = tpu.memref_slice %arg8[%scan3A_13, %dma_start3A] : memref<80x128xi32, #tpu.memory_space<vmem>> -> memref<1x128xi32, #tpu.memory_space<vmem>>
        %dma_start3A_15 = tpu.memref_squeeze %dma_start3A_14 : memref<1x128xi32, #tpu.memory_space<vmem>> -> memref<128xi32, #tpu.memory_space<vmem>>
        %dma_start3A_16 = arith.constant 0 : i32
        %dma_start3A_17 = arith.constant 0 : i32
        %dma_start3A_18 = tpu.memref_slice %arg10[%dma_start3A_16, %dma_start3A_17] : memref<10240x128xf32, #tpu.memory_space<vmem_shared>> -> memref<10240x128xf32, #tpu.memory_space<vmem_shared>>
        tpu.enqueue_indirect_dma source(%arg9 : memref<128x128xf32, #tpu.memory_space<vmem>>) target(%dma_start3A_18 : memref<10240x128xf32, #tpu.memory_space<vmem_shared>>) offsets(%dma_start3A_15 : memref<128xi32, #tpu.memory_space<vmem>>) semaphore(%run_scoped3A : memref<!tpu.dma_semaphore, #tpu.memory_space<semaphore_mem>>) {add = true}
        %dma_wait3A = arith.constant 0 : i32
        %dma_wait3A_19 = tpu.memref_slice %arg8[%scan3A_13, %dma_wait3A] : memref<80x128xi32, #tpu.memory_space<vmem>> -> memref<1x128xi32, #tpu.memory_space<vmem>>
        %dma_wait3A_20 = tpu.memref_squeeze %dma_wait3A_19 : memref<1x128xi32, #tpu.memory_space<vmem>> -> memref<128xi32, #tpu.memory_space<vmem>>
        %dma_wait3A_21 = arith.constant 0 : i32
        %dma_wait3A_22 = arith.constant 0 : i32
        %dma_wait3A_23 = tpu.memref_slice %arg10[%dma_wait3A_21, %dma_wait3A_22] : memref<10240x128xf32, #tpu.memory_space<vmem_shared>> -> memref<10240x128xf32, #tpu.memory_space<vmem_shared>>
        tpu.wait_indirect_dma semaphore(%run_scoped3A : memref<!tpu.dma_semaphore, #tpu.memory_space<semaphore_mem>>) src(%arg9 : memref<128x128xf32, #tpu.memory_space<vmem>>) dst(%dma_wait3A_23 : memref<10240x128xf32, #tpu.memory_space<vmem_shared>>)
        tpu.yield
      }) : () -> ()
    }
    %scan3A_7 = arith.constant 80 : i32
    %barrier3A_8 = arith.constant 0 : index
    tpu.barrier barrier_id(%barrier3A_8)
    %mul3A_9 = arith.constant 640 : i32
    %mul3A_10 = arith.muli %arg1, %mul3A_9 : i32
    %mul3A_11 = arith.constant 640 : i32
    %mul3A_12 = arith.muli %arg1, %mul3A_11 : i32
    "tpu.region"() ({
      %run_scoped3A = tpu.sem_alloc : memref<!tpu.dma_semaphore, #tpu.memory_space<semaphore_mem>>
      %dma_start3A = arith.constant 0 : i32
      %dma_start3A_13 = tpu.memref_slice %arg6[%arg0, %mul3A_12, %dma_start3A] : memref<2x10240x128xf32, #tpu.memory_space<hbm>> -> memref<1x640x128xf32, #tpu.memory_space<hbm>>
      %dma_start3A_14 = tpu.memref_squeeze %dma_start3A_13 : memref<1x640x128xf32, #tpu.memory_space<hbm>> -> memref<640x128xf32, #tpu.memory_space<hbm>>
      %dma_start3A_15 = arith.constant 0 : i32
      %dma_start3A_16 = tpu.memref_slice %arg10[%mul3A_10, %dma_start3A_15] : memref<10240x128xf32, #tpu.memory_space<vmem_shared>> -> memref<640x128xf32, #tpu.memory_space<vmem_shared>>
      tpu.enqueue_dma source(%dma_start3A_16 : memref<640x128xf32, #tpu.memory_space<vmem_shared>>) target(%dma_start3A_14 : memref<640x128xf32, #tpu.memory_space<hbm>>) target_semaphore(%run_scoped3A : memref<!tpu.dma_semaphore, #tpu.memory_space<semaphore_mem>>)
      %dma_wait3A = arith.constant 0 : i32
      %dma_wait3A_17 = tpu.memref_slice %arg6[%arg0, %mul3A_12, %dma_wait3A] : memref<2x10240x128xf32, #tpu.memory_space<hbm>> -> memref<1x640x128xf32, #tpu.memory_space<hbm>>
      %dma_wait3A_18 = tpu.memref_squeeze %dma_wait3A_17 : memref<1x640x128xf32, #tpu.memory_space<hbm>> -> memref<640x128xf32, #tpu.memory_space<hbm>>
      %dma_wait3A_19 = arith.constant 0 : i32
      %dma_wait3A_20 = tpu.memref_slice %arg10[%mul3A_10, %dma_wait3A_19] : memref<10240x128xf32, #tpu.memory_space<vmem_shared>> -> memref<640x128xf32, #tpu.memory_space<vmem_shared>>
      tpu.wait_dma2 semaphore(%run_scoped3A : memref<!tpu.dma_semaphore, #tpu.memory_space<semaphore_mem>>) src(%dma_wait3A_20 : memref<640x128xf32, #tpu.memory_space<vmem_shared>>) dst(%dma_wait3A_18 : memref<640x128xf32, #tpu.memory_space<hbm>>)
      tpu.yield
    }) : () -> ()
    return
  }
}

module attributes {stable_mosaic.version = 14 : i64} {
  func.func @_mm_in_body(%arg0: i32, %arg1: i32, %arg2: memref<512x256xf32, #tpu.memory_space<vmem>>, %arg3: memref<256x128xf32, #tpu.memory_space<vmem>>, %arg4: memref<2x512x128xf32, #tpu.memory_space<vmem>>, %arg5: memref<1x512x128xf32, #tpu.memory_space<vmem>>) attributes {dimension_semantics = [#tpu.dimension_semantics<arbitrary>, #tpu.dimension_semantics<arbitrary>], iteration_bounds = array<i64: 20, 2>, scalar_prefetch = 0 : i64, scratch_operands = 0 : i64, tpu.core_type = #tpu.core_type<tc>, window_params = [{transform_indices = @transform_0, window_bounds = array<i64: 512, 256>}, {transform_indices = @transform_1, window_bounds = array<i64: 256, 128>}, {transform_indices = @transform_2, window_bounds = array<i64: 2, 512, 128>}, {transform_indices = @transform_3, window_bounds = array<i64: 1, 512, 128>}]} {
    %get3A = arith.constant 0 : index
    %get3A_0 = arith.constant 0 : index
    %get3A_1 = arith.constant 0 : index
    %get3A_2 = vector.load %arg4[%get3A, %get3A_0, %get3A_1] : memref<2x512x128xf32, #tpu.memory_space<vmem>>, vector<1x512x1xf32>
    %get3A_3 = vector.shape_cast %get3A_2 : vector<1x512x1xf32> to vector<512xf32>
    %get3A_4 = arith.constant 1 : index
    %get3A_5 = arith.constant 0 : index
    %get3A_6 = arith.constant 0 : index
    %get3A_7 = vector.load %arg4[%get3A_4, %get3A_5, %get3A_6] : memref<2x512x128xf32, #tpu.memory_space<vmem>>, vector<1x512x1xf32>
    %get3A_8 = vector.shape_cast %get3A_7 : vector<1x512x1xf32> to vector<512xf32>
    %add3A = arith.addf %get3A_3, %get3A_8 : vector<512xf32>
    %add3A_9 = arith.constant 1.000000e+00 : f32
    %add3A_10 = vector.broadcast %add3A_9 : f32 to vector<512xf32>
    %add3A_11 = arith.addf %add3A, %add3A_10 : vector<512xf32>
    %rsqrt3A = math.rsqrt %add3A_11 : vector<512xf32>
    %broadcast_in_dim3A = vector.shape_cast %rsqrt3A : vector<512xf32> to vector<512x1xf32>
    %get3A_12 = arith.constant 0 : index
    %get3A_13 = arith.constant 0 : index
    %get3A_14 = vector.load %arg2[%get3A_12, %get3A_13] : memref<512x256xf32, #tpu.memory_space<vmem>>, vector<512x256xf32>
    %get3A_15 = arith.constant 0 : index
    %get3A_16 = arith.constant 0 : index
    %get3A_17 = vector.load %arg3[%get3A_15, %get3A_16] : memref<256x128xf32, #tpu.memory_space<vmem>>, vector<256x128xf32>
    %dot_general3A = arith.constant dense<0.000000e+00> : vector<512x128xf32>
    %dot_general3A_18 = tpu.matmul %get3A_14, %get3A_17, %dot_general3A {dimension_numbers = #tpu.dot_dimension_numbers<[1], [0], [0], [1], [0, 0, 1, 1], [], []>, transpose_lhs_hint = false} : vector<512x256xf32>, vector<256x128xf32>, vector<512x128xf32> -> vector<512x128xf32>
    %mul3A = vector.broadcast %broadcast_in_dim3A : vector<512x1xf32> to vector<512x128xf32>
    %mul3A_19 = arith.mulf %mul3A, %dot_general3A_18 : vector<512x128xf32>
    %broadcast_in_dim3A_20 = vector.shape_cast %mul3A_19 : vector<512x128xf32> to vector<1x512x128xf32>
    %swap3A = arith.constant 0 : index
    %swap3A_21 = arith.constant 0 : index
    %swap3A_22 = arith.constant 0 : index
    %swap3A_23 = vector.load %arg5[%swap3A, %swap3A_21, %swap3A_22] : memref<1x512x128xf32, #tpu.memory_space<vmem>>, vector<1x512x128xf32>
    tpu.vector_store %arg5[%swap3A, %swap3A_21, %swap3A_22], %broadcast_in_dim3A_20 {strides = array<i32>} : memref<1x512x128xf32, #tpu.memory_space<vmem>>, vector<1x512x128xf32>,
    return
  }
  func.func @transform_0(%arg0: i32, %arg1: i32) -> (i32, i32) {
    %c0_i32 = arith.constant 0 : i32
    %c0_i32_0 = arith.constant 0 : i32
    return %arg0, %c0_i32 : i32, i32
  }
  func.func @transform_1(%arg0: i32, %arg1: i32) -> (i32, i32) {
    %c0_i32 = arith.constant 0 : i32
    %c0_i32_0 = arith.constant 0 : i32
    return %c0_i32, %arg1 : i32, i32
  }
  func.func @transform_2(%arg0: i32, %arg1: i32) -> (i32, i32, i32) {
    %c0_i32 = arith.constant 0 : i32
    %c0_i32_0 = arith.constant 0 : i32
    %c0_i32_1 = arith.constant 0 : i32
    return %c0_i32, %arg0, %c0_i32_0 : i32, i32, i32
  }
  func.func @transform_3(%arg0: i32, %arg1: i32) -> (i32, i32, i32) {
    %c0_i32 = arith.constant 0 : i32
    %c0_i32_0 = arith.constant 0 : i32
    return %arg1, %arg0, %c0_i32 : i32, i32, i32
  }
}

module attributes {stable_mosaic.version = 14 : i64} {
  func.func @_mid_body(%arg0: i32, %arg1: memref<2x512x128xf32, #tpu.memory_space<vmem>>, %arg2: memref<2x512x128xf32, #tpu.memory_space<vmem>>, %arg3: memref<2x512x128xf32, #tpu.memory_space<vmem>>, %arg4: memref<1x256xf32, #tpu.memory_space<vmem>>, %arg5: memref<256x256xf32, #tpu.memory_space<vmem>>, %arg6: memref<2x512x128xf32, #tpu.memory_space<vmem>>) attributes {dimension_semantics = [#tpu.dimension_semantics<arbitrary>], iteration_bounds = array<i64: 20>, scalar_prefetch = 0 : i64, scratch_operands = 0 : i64, tpu.core_type = #tpu.core_type<tc>, window_params = [{transform_indices = @transform_0, window_bounds = array<i64: 2, 512, 128>}, {transform_indices = @transform_1, window_bounds = array<i64: 2, 512, 128>}, {transform_indices = @transform_2, window_bounds = array<i64: 2, 512, 128>}, {pipeline_mode = #tpu.pipeline_mode<synchronous>, transform_indices = @transform_3, window_bounds = array<i64: 1, 256>}, {pipeline_mode = #tpu.pipeline_mode<synchronous>, transform_indices = @transform_4, window_bounds = array<i64: 256, 256>}, {transform_indices = @transform_5, window_bounds = array<i64: 2, 512, 128>}]} {
    %get3A = arith.constant 0 : index
    %get3A_0 = arith.constant 0 : index
    %get3A_1 = arith.constant 0 : index
    %get3A_2 = vector.load %arg3[%get3A, %get3A_0, %get3A_1] : memref<2x512x128xf32, #tpu.memory_space<vmem>>, vector<1x512x1xf32>
    %get3A_3 = vector.shape_cast %get3A_2 : vector<1x512x1xf32> to vector<512xf32>
    %get3A_4 = arith.constant 1 : index
    %get3A_5 = arith.constant 0 : index
    %get3A_6 = arith.constant 0 : index
    %get3A_7 = vector.load %arg3[%get3A_4, %get3A_5, %get3A_6] : memref<2x512x128xf32, #tpu.memory_space<vmem>>, vector<1x512x1xf32>
    %get3A_8 = vector.shape_cast %get3A_7 : vector<1x512x1xf32> to vector<512xf32>
    %add3A = arith.addf %get3A_3, %get3A_8 : vector<512xf32>
    %add3A_9 = arith.constant 1.000000e+00 : f32
    %add3A_10 = vector.broadcast %add3A_9 : f32 to vector<512xf32>
    %add3A_11 = arith.addf %add3A, %add3A_10 : vector<512xf32>
    %rsqrt3A = math.rsqrt %add3A_11 : vector<512xf32>
    %broadcast_in_dim3A = vector.shape_cast %rsqrt3A : vector<512xf32> to vector<512x1xf32>
    %get3A_12 = arith.constant 0 : index
    %get3A_13 = arith.constant 0 : index
    %get3A_14 = arith.constant 0 : index
    %get3A_15 = vector.load %arg1[%get3A_12, %get3A_13, %get3A_14] : memref<2x512x128xf32, #tpu.memory_space<vmem>>, vector<1x512x128xf32>
    %get3A_16 = vector.shape_cast %get3A_15 : vector<1x512x128xf32> to vector<512x128xf32>
    %get3A_17 = arith.constant 1 : index
    %get3A_18 = arith.constant 0 : index
    %get3A_19 = arith.constant 0 : index
    %get3A_20 = vector.load %arg1[%get3A_17, %get3A_18, %get3A_19] : memref<2x512x128xf32, #tpu.memory_space<vmem>>, vector<1x512x128xf32>
    %get3A_21 = vector.shape_cast %get3A_20 : vector<1x512x128xf32> to vector<512x128xf32>
    %concatenate3A = tpu.concatenate %get3A_16, %get3A_21 in 1 : vector<512x128xf32>, vector<512x128xf32> -> vector<512x256xf32>
    %get3A_22 = arith.constant 0 : index
    %get3A_23 = arith.constant 0 : index
    %get3A_24 = arith.constant 0 : index
    %get3A_25 = vector.load %arg2[%get3A_22, %get3A_23, %get3A_24] : memref<2x512x128xf32, #tpu.memory_space<vmem>>, vector<1x512x128xf32>
    %get3A_26 = vector.shape_cast %get3A_25 : vector<1x512x128xf32> to vector<512x128xf32>
    %get3A_27 = arith.constant 1 : index
    %get3A_28 = arith.constant 0 : index
    %get3A_29 = arith.constant 0 : index
    %get3A_30 = vector.load %arg2[%get3A_27, %get3A_28, %get3A_29] : memref<2x512x128xf32, #tpu.memory_space<vmem>>, vector<1x512x128xf32>
    %get3A_31 = vector.shape_cast %get3A_30 : vector<1x512x128xf32> to vector<512x128xf32>
    %concatenate3A_32 = tpu.concatenate %get3A_26, %get3A_31 in 1 : vector<512x128xf32>, vector<512x128xf32> -> vector<512x256xf32>
    %add3A_33 = arith.addf %concatenate3A, %concatenate3A_32 : vector<512x256xf32>
    %mul3A = vector.broadcast %broadcast_in_dim3A : vector<512x1xf32> to vector<512x256xf32>
    %mul3A_34 = arith.mulf %mul3A, %add3A_33 : vector<512x256xf32>
    %get3A_35 = arith.constant 0 : index
    %get3A_36 = arith.constant 0 : index
    %get3A_37 = vector.load %arg4[%get3A_35, %get3A_36] : memref<1x256xf32, #tpu.memory_space<vmem>>, vector<1x256xf32>
    %add3A_38 = vector.broadcast %get3A_37 : vector<1x256xf32> to vector<512x256xf32>
    %add3A_39 = arith.addf %mul3A_34, %add3A_38 : vector<512x256xf32>
    %max3A = arith.constant 0.000000e+00 : f32
    %max3A_40 = vector.broadcast %max3A : f32 to vector<512x256xf32>
    %max3A_41 = arith.maximumf %add3A_39, %max3A_40 : vector<512x256xf32>
    %get3A_42 = arith.constant 0 : index
    %get3A_43 = arith.constant 0 : index
    %get3A_44 = vector.load %arg5[%get3A_42, %get3A_43] : memref<256x256xf32, #tpu.memory_space<vmem>>, vector<256x256xf32>
    %dot_general3A = arith.constant dense<0.000000e+00> : vector<512x256xf32>
    %dot_general3A_45 = tpu.matmul %max3A_41, %get3A_44, %dot_general3A {dimension_numbers = #tpu.dot_dimension_numbers<[1], [0], [0], [1], [0, 0, 1, 1], [], []>, transpose_lhs_hint = false} : vector<512x256xf32>, vector<256x256xf32>, vector<512x256xf32> -> vector<512x256xf32>
    %mul3A_46 = vector.broadcast %broadcast_in_dim3A : vector<512x1xf32> to vector<512x256xf32>
    %mul3A_47 = arith.mulf %mul3A_46, %dot_general3A_45 : vector<512x256xf32>
    %slice3A = vector.extract_strided_slice %mul3A_47 {offsets = [0, 0], sizes = [512, 128], strides = [1, 1]} : vector<512x256xf32> to vector<512x128xf32>
    %swap3A = arith.constant 0 : index
    %swap3A_48 = arith.constant 0 : index
    %swap3A_49 = arith.constant 0 : index
    %swap3A_50 = vector.load %arg6[%swap3A, %swap3A_48, %swap3A_49] : memref<2x512x128xf32, #tpu.memory_space<vmem>>, vector<1x512x128xf32>
    %swap3A_51 = vector.shape_cast %swap3A_50 : vector<1x512x128xf32> to vector<512x128xf32>
    %swap3A_52 = vector.shape_cast %slice3A : vector<512x128xf32> to vector<1x512x128xf32>
    tpu.vector_store %arg6[%swap3A, %swap3A_48, %swap3A_49], %swap3A_52 {strides = array<i32>} : memref<2x512x128xf32, #tpu.memory_space<vmem>>, vector<1x512x128xf32>,
    %slice3A_53 = vector.extract_strided_slice %mul3A_47 {offsets = [0, 128], sizes = [512, 128], strides = [1, 1]} : vector<512x256xf32> to vector<512x128xf32>
    %swap3A_54 = arith.constant 1 : index
    %swap3A_55 = arith.constant 0 : index
    %swap3A_56 = arith.constant 0 : index
    %swap3A_57 = vector.load %arg6[%swap3A_54, %swap3A_55, %swap3A_56] : memref<2x512x128xf32, #tpu.memory_space<vmem>>, vector<1x512x128xf32>
    %swap3A_58 = vector.shape_cast %swap3A_57 : vector<1x512x128xf32> to vector<512x128xf32>
    %swap3A_59 = vector.shape_cast %slice3A_53 : vector<512x128xf32> to vector<1x512x128xf32>
    tpu.vector_store %arg6[%swap3A_54, %swap3A_55, %swap3A_56], %swap3A_59 {strides = array<i32>} : memref<2x512x128xf32, #tpu.memory_space<vmem>>, vector<1x512x128xf32>,
    return
  }
  func.func @transform_0(%arg0: i32) -> (i32, i32, i32) {
    %c0_i32 = arith.constant 0 : i32
    %c0_i32_0 = arith.constant 0 : i32
    %c0_i32_1 = arith.constant 0 : i32
    return %c0_i32, %arg0, %c0_i32_0 : i32, i32, i32
  }
  func.func @transform_1(%arg0: i32) -> (i32, i32, i32) {
    %c0_i32 = arith.constant 0 : i32
    %c0_i32_0 = arith.constant 0 : i32
    %c0_i32_1 = arith.constant 0 : i32
    return %c0_i32, %arg0, %c0_i32_0 : i32, i32, i32
  }
  func.func @transform_2(%arg0: i32) -> (i32, i32, i32) {
    %c0_i32 = arith.constant 0 : i32
    %c0_i32_0 = arith.constant 0 : i32
    %c0_i32_1 = arith.constant 0 : i32
    return %c0_i32, %arg0, %c0_i32_0 : i32, i32, i32
  }
  func.func @transform_3(%arg0: i32) -> (i32, i32) {
    %c0_i32 = arith.constant 0 : i32
    %c0_i32_0 = arith.constant 0 : i32
    %c0_i32_1 = arith.constant 0 : i32
    return %c0_i32, %c0_i32_0 : i32, i32
  }
  func.func @transform_4(%arg0: i32) -> (i32, i32) {
    %c0_i32 = arith.constant 0 : i32
    %c0_i32_0 = arith.constant 0 : i32
    %c0_i32_1 = arith.constant 0 : i32
    return %c0_i32, %c0_i32_0 : i32, i32
  }
  func.func @transform_5(%arg0: i32) -> (i32, i32, i32) {
    %c0_i32 = arith.constant 0 : i32
    %c0_i32_0 = arith.constant 0 : i32
    %c0_i32_1 = arith.constant 0 : i32
    return %c0_i32, %arg0, %c0_i32_0 : i32, i32, i32
  }
}

module attributes {stable_mosaic.version = 14 : i64} {
  func.func @_head_body(%arg0: i32, %arg1: memref<2x512x128xf32, #tpu.memory_space<vmem>>, %arg2: memref<2x512x128xf32, #tpu.memory_space<vmem>>, %arg3: memref<2x512x128xf32, #tpu.memory_space<vmem>>, %arg4: memref<1x256xf32, #tpu.memory_space<vmem>>, %arg5: memref<256x256xf32, #tpu.memory_space<vmem>>, %arg6: memref<1x256xf32, #tpu.memory_space<vmem>>, %arg7: memref<256x128xf32, #tpu.memory_space<vmem>>, %arg8: memref<1x128xf32, #tpu.memory_space<vmem>>, %arg9: memref<512x128xf32, #tpu.memory_space<vmem>>) attributes {dimension_semantics = [#tpu.dimension_semantics<arbitrary>], iteration_bounds = array<i64: 20>, scalar_prefetch = 0 : i64, scratch_operands = 0 : i64, tpu.core_type = #tpu.core_type<tc>, window_params = [{transform_indices = @transform_0, window_bounds = array<i64: 2, 512, 128>}, {transform_indices = @transform_1, window_bounds = array<i64: 2, 512, 128>}, {transform_indices = @transform_2, window_bounds = array<i64: 2, 512, 128>}, {pipeline_mode = #tpu.pipeline_mode<synchronous>, transform_indices = @transform_3, window_bounds = array<i64: 1, 256>}, {pipeline_mode = #tpu.pipeline_mode<synchronous>, transform_indices = @transform_4, window_bounds = array<i64: 256, 256>}, {pipeline_mode = #tpu.pipeline_mode<synchronous>, transform_indices = @transform_5, window_bounds = array<i64: 1, 256>}, {pipeline_mode = #tpu.pipeline_mode<synchronous>, transform_indices = @transform_6, window_bounds = array<i64: 256, 128>}, {pipeline_mode = #tpu.pipeline_mode<synchronous>, transform_indices = @transform_7, window_bounds = array<i64: 1, 128>}, {transform_indices = @transform_8, window_bounds = array<i64: 512, 128>}]} {
    %get3A = arith.constant 0 : index
    %get3A_0 = arith.constant 0 : index
    %get3A_1 = arith.constant 0 : index
    %get3A_2 = vector.load %arg3[%get3A, %get3A_0, %get3A_1] : memref<2x512x128xf32, #tpu.memory_space<vmem>>, vector<1x512x1xf32>
    %get3A_3 = vector.shape_cast %get3A_2 : vector<1x512x1xf32> to vector<512xf32>
    %get3A_4 = arith.constant 1 : index
    %get3A_5 = arith.constant 0 : index
    %get3A_6 = arith.constant 0 : index
    %get3A_7 = vector.load %arg3[%get3A_4, %get3A_5, %get3A_6] : memref<2x512x128xf32, #tpu.memory_space<vmem>>, vector<1x512x1xf32>
    %get3A_8 = vector.shape_cast %get3A_7 : vector<1x512x1xf32> to vector<512xf32>
    %add3A = arith.addf %get3A_3, %get3A_8 : vector<512xf32>
    %add3A_9 = arith.constant 1.000000e+00 : f32
    %add3A_10 = vector.broadcast %add3A_9 : f32 to vector<512xf32>
    %add3A_11 = arith.addf %add3A, %add3A_10 : vector<512xf32>
    %rsqrt3A = math.rsqrt %add3A_11 : vector<512xf32>
    %broadcast_in_dim3A = vector.shape_cast %rsqrt3A : vector<512xf32> to vector<512x1xf32>
    %get3A_12 = arith.constant 0 : index
    %get3A_13 = arith.constant 0 : index
    %get3A_14 = arith.constant 0 : index
    %get3A_15 = vector.load %arg1[%get3A_12, %get3A_13, %get3A_14] : memref<2x512x128xf32, #tpu.memory_space<vmem>>, vector<1x512x128xf32>
    %get3A_16 = vector.shape_cast %get3A_15 : vector<1x512x128xf32> to vector<512x128xf32>
    %get3A_17 = arith.constant 1 : index
    %get3A_18 = arith.constant 0 : index
    %get3A_19 = arith.constant 0 : index
    %get3A_20 = vector.load %arg1[%get3A_17, %get3A_18, %get3A_19] : memref<2x512x128xf32, #tpu.memory_space<vmem>>, vector<1x512x128xf32>
    %get3A_21 = vector.shape_cast %get3A_20 : vector<1x512x128xf32> to vector<512x128xf32>
    %concatenate3A = tpu.concatenate %get3A_16, %get3A_21 in 1 : vector<512x128xf32>, vector<512x128xf32> -> vector<512x256xf32>
    %get3A_22 = arith.constant 0 : index
    %get3A_23 = arith.constant 0 : index
    %get3A_24 = arith.constant 0 : index
    %get3A_25 = vector.load %arg2[%get3A_22, %get3A_23, %get3A_24] : memref<2x512x128xf32, #tpu.memory_space<vmem>>, vector<1x512x128xf32>
    %get3A_26 = vector.shape_cast %get3A_25 : vector<1x512x128xf32> to vector<512x128xf32>
    %get3A_27 = arith.constant 1 : index
    %get3A_28 = arith.constant 0 : index
    %get3A_29 = arith.constant 0 : index
    %get3A_30 = vector.load %arg2[%get3A_27, %get3A_28, %get3A_29] : memref<2x512x128xf32, #tpu.memory_space<vmem>>, vector<1x512x128xf32>
    %get3A_31 = vector.shape_cast %get3A_30 : vector<1x512x128xf32> to vector<512x128xf32>
    %concatenate3A_32 = tpu.concatenate %get3A_26, %get3A_31 in 1 : vector<512x128xf32>, vector<512x128xf32> -> vector<512x256xf32>
    %add3A_33 = arith.addf %concatenate3A, %concatenate3A_32 : vector<512x256xf32>
    %mul3A = vector.broadcast %broadcast_in_dim3A : vector<512x1xf32> to vector<512x256xf32>
    %mul3A_34 = arith.mulf %mul3A, %add3A_33 : vector<512x256xf32>
    %get3A_35 = arith.constant 0 : index
    %get3A_36 = arith.constant 0 : index
    %get3A_37 = vector.load %arg4[%get3A_35, %get3A_36] : memref<1x256xf32, #tpu.memory_space<vmem>>, vector<1x256xf32>
    %add3A_38 = vector.broadcast %get3A_37 : vector<1x256xf32> to vector<512x256xf32>
    %add3A_39 = arith.addf %mul3A_34, %add3A_38 : vector<512x256xf32>
    %max3A = arith.constant 0.000000e+00 : f32
    %max3A_40 = vector.broadcast %max3A : f32 to vector<512x256xf32>
    %max3A_41 = arith.maximumf %add3A_39, %max3A_40 : vector<512x256xf32>
    %get3A_42 = arith.constant 0 : index
    %get3A_43 = arith.constant 0 : index
    %get3A_44 = vector.load %arg5[%get3A_42, %get3A_43] : memref<256x256xf32, #tpu.memory_space<vmem>>, vector<256x256xf32>
    %dot_general3A = arith.constant dense<0.000000e+00> : vector<512x256xf32>
    %dot_general3A_45 = tpu.matmul %max3A_41, %get3A_44, %dot_general3A {dimension_numbers = #tpu.dot_dimension_numbers<[1], [0], [0], [1], [0, 0, 1, 1], [], []>, transpose_lhs_hint = false} : vector<512x256xf32>, vector<256x256xf32>, vector<512x256xf32> -> vector<512x256xf32>
    %get3A_46 = arith.constant 0 : index
    %get3A_47 = arith.constant 0 : index
    %get3A_48 = vector.load %arg6[%get3A_46, %get3A_47] : memref<1x256xf32, #tpu.memory_space<vmem>>, vector<1x256xf32>
    %add3A_49 = vector.broadcast %get3A_48 : vector<1x256xf32> to vector<512x256xf32>
    %add3A_50 = arith.addf %dot_general3A_45, %add3A_49 : vector<512x256xf32>
    %max3A_51 = arith.constant 0.000000e+00 : f32
    %max3A_52 = vector.broadcast %max3A_51 : f32 to vector<512x256xf32>
    %max3A_53 = arith.maximumf %add3A_50, %max3A_52 : vector<512x256xf32>
    %get3A_54 = arith.constant 0 : index
    %get3A_55 = arith.constant 0 : index
    %get3A_56 = vector.load %arg7[%get3A_54, %get3A_55] : memref<256x128xf32, #tpu.memory_space<vmem>>, vector<256x128xf32>
    %dot_general3A_57 = arith.constant dense<0.000000e+00> : vector<512x128xf32>
    %dot_general3A_58 = tpu.matmul %max3A_53, %get3A_56, %dot_general3A_57 {dimension_numbers = #tpu.dot_dimension_numbers<[1], [0], [0], [1], [0, 0, 1, 1], [], []>, transpose_lhs_hint = false} : vector<512x256xf32>, vector<256x128xf32>, vector<512x128xf32> -> vector<512x128xf32>
    %get3A_59 = arith.constant 0 : index
    %get3A_60 = arith.constant 0 : index
    %get3A_61 = vector.load %arg8[%get3A_59, %get3A_60] : memref<1x128xf32, #tpu.memory_space<vmem>>, vector<1x128xf32>
    %add3A_62 = vector.broadcast %get3A_61 : vector<1x128xf32> to vector<512x128xf32>
    %add3A_63 = arith.addf %dot_general3A_58, %add3A_62 : vector<512x128xf32>
    %swap3A = arith.constant 0 : index
    %swap3A_64 = arith.constant 0 : index
    %swap3A_65 = vector.load %arg9[%swap3A, %swap3A_64] : memref<512x128xf32, #tpu.memory_space<vmem>>, vector<512x128xf32>
    tpu.vector_store %arg9[%swap3A, %swap3A_64], %add3A_63 {strides = array<i32>} : memref<512x128xf32, #tpu.memory_space<vmem>>, vector<512x128xf32>,
    return
  }
  func.func @transform_0(%arg0: i32) -> (i32, i32, i32) {
    %c0_i32 = arith.constant 0 : i32
    %c0_i32_0 = arith.constant 0 : i32
    %c0_i32_1 = arith.constant 0 : i32
    return %c0_i32, %arg0, %c0_i32_0 : i32, i32, i32
  }
  func.func @transform_1(%arg0: i32) -> (i32, i32, i32) {
    %c0_i32 = arith.constant 0 : i32
    %c0_i32_0 = arith.constant 0 : i32
    %c0_i32_1 = arith.constant 0 : i32
    return %c0_i32, %arg0, %c0_i32_0 : i32, i32, i32
  }
  func.func @transform_2(%arg0: i32) -> (i32, i32, i32) {
    %c0_i32 = arith.constant 0 : i32
    %c0_i32_0 = arith.constant 0 : i32
    %c0_i32_1 = arith.constant 0 : i32
    return %c0_i32, %arg0, %c0_i32_0 : i32, i32, i32
  }
  func.func @transform_3(%arg0: i32) -> (i32, i32) {
    %c0_i32 = arith.constant 0 : i32
    %c0_i32_0 = arith.constant 0 : i32
    %c0_i32_1 = arith.constant 0 : i32
    return %c0_i32, %c0_i32_0 : i32, i32
  }
  func.func @transform_4(%arg0: i32) -> (i32, i32) {
    %c0_i32 = arith.constant 0 : i32
    %c0_i32_0 = arith.constant 0 : i32
    %c0_i32_1 = arith.constant 0 : i32
    return %c0_i32, %c0_i32_0 : i32, i32
  }
  func.func @transform_5(%arg0: i32) -> (i32, i32) {
    %c0_i32 = arith.constant 0 : i32
    %c0_i32_0 = arith.constant 0 : i32
    %c0_i32_1 = arith.constant 0 : i32
    return %c0_i32, %c0_i32_0 : i32, i32
  }
  func.func @transform_6(%arg0: i32) -> (i32, i32) {
    %c0_i32 = arith.constant 0 : i32
    %c0_i32_0 = arith.constant 0 : i32
    %c0_i32_1 = arith.constant 0 : i32
    return %c0_i32, %c0_i32_0 : i32, i32
  }
  func.func @transform_7(%arg0: i32) -> (i32, i32) {
    %c0_i32 = arith.constant 0 : i32
    %c0_i32_0 = arith.constant 0 : i32
    %c0_i32_1 = arith.constant 0 : i32
    return %c0_i32, %c0_i32_0 : i32, i32
  }
  func.func @transform_8(%arg0: i32) -> (i32, i32) {
    %c0_i32 = arith.constant 0 : i32
    %c0_i32_0 = arith.constant 0 : i32
    return %arg0, %c0_i32 : i32, i32
  }
}

</mosaic_0001>

<sc_bundles>
// kernel: kernel.11.cloned.1.call-start
scs
__scs_entry_jumppad:
0x0: {  	(pc) =	sbr.rel $0x88, $3  }
0x1: {  	(tag) =	ssettag $0x0;
	lr =	simm.s32 $0x1  }
0x2: {  	[smem:$0x3F97] =	sst lr;
	_ =	strace $0xD0000000  }
0x3: {  	_ = 	snop  }
0x4: {  	_ = 	snop  }
0x5: {  	_ = 	snop  }
0x6: {  	_ = 	snop  }
0x7: {  	_ = 	snop  }
__scs_overlays_trampoline_lowered:
0x8: {  	[smem:$0x3FA6] =	sst s0  }
0x9: {  	[smem:$0x3FA7] =	sst s1  }
0xa: {  	[smem:$0x3FA8] =	sst s2  }
0xb: {  	[smem:$0x3FA9] =	sst s3  }
0xc: {  	[smem:$0x3FAA] =	sst s4  }
0xd: {  	[smem:$0x3FAB] =	sst s5  }
0xe: {  	[smem:$0x3FAC] =	sst s6  }
0xf: {  	[smem:$0x3FAD] =	sst s7  }
0x10: {  	[smem:$0x3FAE] =	sst s8  }
0x11: {  	[smem:$0x3FAF] =	sst s9;
	s0 =	simm.s32 @!p0 $0x0  }
0x12: {  	s1 =	sld [smem:$0x3F95];
	s0 =	simm.s32 @p0 $0x1  }
0x13: {  	[smem:$0x3FB0] =	sst s0;
	s0 =	simm.s32 @!p1 $0x0  }
0x14: {  	s2 =	sld [smem:$0x3F94];
	s0 =	simm.s32 @p1 $0x1  }
0x15: {  	[smem:$0x3FB1] =	sst s0;
	s0 =	simm.s32 @!p2 $0x0  }
0x16: {  	s3 =	sld [smem:$0x3FDB];
	s0 =	simm.s32 @p2 $0x1  }
0x17: {  	s4 =	simm.s32 $0x1BF5;
	[smem:$0x3FB3] =	sst s0  }
0x18: {  	s0 =	sld [smem:$0x3F96];
	_ =	swait.ge [sflag:s4], $0x0  }
0x19: {  	s7 =	sld [smem:$0x3F97]  }
0x1a: {  	s8 =	sadd.s32 $0xFFFFE003, lr  }
0x1b: {  	s9 =	sadd.s32 $0xFFFFFEF7, lr;
	s5 =	simm.s32 $0xFFFFFFFF;
	p2 =	slt.u32 s8, $0xFFFFF086  }
0x1c: {  	p1 =	slt.u32 s9, $0xF7A;
	s5 =	simm.s32 @!p2 $0x0  }
0x1d: {  	s5 =	simm.s32 @p1 $0x1;
	p0 =	seq.s32 s7, s2  }
0x1e: {  	s7 =	smul.u32 @!p0 $0xF7A, s2;
	p2 =	seq.s32 @!p0 s5, $0x0  }
0x1f: {  	s9 =	smul.u32 $0xF7A, s1;
	s8 =	simm.s32 @!p0 $0x1BF5;
	p2 =	por !p2, p0  }
0x20: {  	[sflag:s8] =	ssyncset.s32 @!p0 $0xFFFFF086;
	s6 =	sadd.s32 @!p0 s3, s7;
	s7 =	simm.s32 @!p0 $0x108  }
0x21: {  	s3 =	sadd.s32 s3, s9;
	s6 =	sadd.s32 @!p0 $0x88, s6;
	s7 =	simm.s32 @p2 $0x1082  }
0x22: {  	[simem:s7], [sflag:s8] =	dma.local @!p0 [hbm:s6], $0xF7A  }
0x23: {  	s9 =	sor.u32 $0xD0000000, s2;
	s6 =	simm.s32 $0x108;
	_ =	swait.ge @!p0 [sflag:s8], $0x0  }
0x24: {  	s3 =	sadd.s32 $0x88, s3;
	s6 =	simm.s32 @!p1 $0x1082;
	[sflag:s4] =	ssyncset.s32 $0xFFFFF086  }
0x25: {  	[simem:s6], [sflag:s4] =	dma.local [hbm:s3], $0xF7A  }
0x26: {  	[smem:$0x3F97] =	sst s1;
	(tag) =	ssettag s2;
	_ =	strace s9  }
0x27: {  	s1 =	sld [smem:$0x3FA7]  }
0x28: {  	s2 =	sld [smem:$0x3FA8]  }
0x29: {  	s4 =	sld [smem:$0x3FAA]  }
0x2a: {  	p0 =	seq.s32 s5, $0x0;
	s5 =	sld [smem:$0x3FAB]  }
0x2b: {  	s6 =	sld [smem:$0x3FAC]  }
0x2c: {  	s7 =	sld [smem:$0x3FAD]  }
0x2d: {  	s3 =	simm.s32 $0x108;
	s8 =	sld [smem:$0x3FAE]  }
0x2e: {  	s3 =	simm.s32 @!p0 $0x1082;
	s9 =	sld [smem:$0x3FAF]  }
0x2f: {  	lr =	sadd.s32 s0, s3;
	s0 =	sld [smem:$0x3FA6]  }
0x30: {  	s3 =	sld [smem:$0x3FA9]  }
0x31: {  	[smem:$0x3FB2] =	sst s10  }
0x32: {  	s10 =	sld [smem:$0x3FB0];
	_ =	sdelay $0x3  }
0x33: {  	p0 =	seq.s32 s10, $0x1;
	s10 =	sld [smem:$0x3FB2];
	_ =	sdelay $0x3  }
0x34: {  	[smem:$0x3FB2] =	sst s10  }
0x35: {  	s10 =	sld [smem:$0x3FB1];
	_ =	sdelay $0x3  }
0x36: {  	p1 =	seq.s32 s10, $0x1;
	s10 =	sld [smem:$0x3FB2];
	_ =	sdelay $0x3  }
0x37: {  	[smem:$0x3FB2] =	sst s10  }
0x38: {  	s10 =	sld [smem:$0x3FB3]  }
0x39: {  	_ = 	snop;
	(pc) =	sbr.ind lr, $3  }
0x3a: {  	_ = 	snop  }
0x3b: {  	_ = 	snop  }
0x3c: {  	p2 =	seq.s32 s10, $0x1;
	s10 =	sld [smem:$0x3FB2]  }
0x3d: {  	_ =	shalt  }
0x3e: {  	_ =	shalt  }
0x3f: {  	_ =	shalt  }
0x40: {  	_ =	shalt  }
0x41: {  	_ =	shalt  }
0x42: {  	_ =	shalt  }
0x43: {  	_ =	shalt  }
0x44: {  	_ =	shalt  }
0x45: {  	_ =	shalt  }
0x46: {  	_ =	shalt  }
0x47: {  	_ =	shalt  }
0x48: {  	_ =	shalt  }
0x49: {  	_ =	shalt  }
0x4a: {  	_ =	shalt  }
0x4b: {  	_ =	shalt  }
0x4c: {  	_ =	shalt  }
0x4d: {  	_ =	shalt  }
0x4e: {  	_ =	shalt  }
0x4f: {  	_ =	shalt  }
0x50: {  	_ =	shalt  }
0x51: {  	_ =	shalt  }
0x52: {  	_ =	shalt  }
0x53: {  	_ =	shalt  }
0x54: {  	_ =	shalt  }
0x55: {  	_ =	shalt  }
0x56: {  	_ =	shalt  }
0x57: {  	_ =	shalt  }
0x58: {  	_ =	shalt  }
0x59: {  	_ =	shalt  }
0x5a: {  	_ =	shalt  }
0x5b: {  	_ =	shalt  }
0x5c: {  	_ =	shalt  }
0x5d: {  	_ =	shalt  }
0x5e: {  	_ =	shalt  }
0x5f: {  	_ =	shalt  }
0x60: {  	_ =	shalt  }
0x61: {  	_ =	shalt  }
0x62: {  	_ =	shalt  }
0x63: {  	_ =	shalt  }
0x64: {  	_ =	shalt  }
0x65: {  	_ =	shalt  }
0x66: {  	_ =	shalt  }
0x67: {  	_ =	shalt  }
0x68: {  	_ =	shalt  }
0x69: {  	_ =	shalt  }
0x6a: {  	_ =	shalt  }
0x6b: {  	_ =	shalt  }
0x6c: {  	_ =	shalt  }
0x6d: {  	_ =	shalt  }
0x6e: {  	_ =	shalt  }
0x6f: {  	_ =	shalt  }
0x70: {  	_ =	shalt  }
0x71: {  	_ =	shalt  }
0x72: {  	_ =	shalt  }
0x73: {  	_ =	shalt  }
0x74: {  	_ =	shalt  }
0x75: {  	_ =	shalt  }
0x76: {  	_ =	shalt  }
0x77: {  	_ =	shalt  }
0x78: {  	_ =	shalt  }
0x79: {  	_ =	shalt  }
0x7a: {  	_ =	shalt  }
0x7b: {  	_ =	shalt  }
0x7c: {  	_ =	shalt  }
0x7d: {  	_ =	shalt  }
0x7e: {  	_ =	shalt  }
0x7f: {  	_ =	shalt  }
0x80: {  	_ =	shalt  }
0x81: {  	_ =	shalt  }
0x82: {  	_ =	shalt  }
0x83: {  	_ =	shalt  }
0x84: {  	_ =	shalt  }
0x85: {  	_ =	shalt  }
0x86: {  	_ =	shalt  }
0x87: {  	_ =	shalt  }
.Lfunc_end0:
.L_simem_size_0:
called_computation.1_lowered:
.L_overlay_start_0:
0x88: {  	s2 =	sld [smem:$0x3FD9]  }
0x89: {  	s3 =	sld [smem:$0x3FFE];
	_ =	sdelay $0x1  }
0x8a: {  	s1 =	srdreg.scid  }
0x8b: {  	s0 =	sand.u32 $0x1, s1  }
0x8c: {  	s17 =	sshll.u32 s0, $0xA;
	s2 =	sadd.s32 s3, s2  }
0x8d: {  	s2 =	sadd.s32 s2, s17  }
0x8e: {  	[smem:$0x3FBE] =	sst s2  }
0x8f: {  	_ = 	snop  }
0x90: {  	s2 =	sld [smem:$0x3FD0];
	(tm) =	ssettm $0x1  }
0x91: {  	s18 =	sld [smem:$0x3FFB];
	_ =	sdelay $0x3  }
0x92: {  	_ =	strace s18  }
0x93: {  	s3 =	sld [smem:$0x3FFC];
	_ =	sdelay $0x3  }
0x94: {  	_ =	strace s3  }
0x95: {  	s3 =	sld [smem:$0x3FFD];
	_ =	sdelay $0x3  }
0x96: {  	_ =	strace s3  }
0x97: {  	_ =	strace $0x8FFFFFFF  }
0x98: {  	s19 =	sld [smem:$0x3FDB];
	_ =	sdelay $0x1  }
0x99: {  	s4 =	simm.s32 $_scs_section_size  }
0x9a: {  	s5 =	simm.s32 $_size__tile_overlayer_lowered;
	s6 =	simm.s32 $_tile_overlayer_lowered  }
0x9b: {  	s22 =	simm.s32 $0x1BFF;
	s21 =	sshll.u32 s6, $0x1;
	s3 =	sadd.s32 s4, s19  }
0x9c: {  	s7 =	simm.s32 $0x0;
	s20 =	sshll.u32 s5, $0x1;
	s5 =	sadd.s32 s21, s3  }
0x9d: {  	[timem:s7], [sflag:s22] =	dma.local [hbm:s5], s20  }
0x9e: {  	_ =	swait.ge [sflag:s22], s20  }
0x9f: {  	s4 =	ssub.s32 $0x0, s20;
	[sflag:s22] =	ssyncset.done $0x0  }
0xa0: {  	[sflag:s22] =	ssyncadd.s32 s4;
	_ =	sdelay $0x1  }
0xa1: {  	s23 =	simm.s32 $0x1B8B  }
0xa2: {  	_ =	swait.ge [sflag:s23], $0x1  }
0xa3: {  	[sflag:s23] =	ssyncset.done $0x0  }
0xa4: {  	s25 =	simm.s32 $0x1B8E;
	s24 =	sld [smem:$0x3FFE];
	[sflag:s23] =	ssyncadd.s32 $0xFFFFFFFF  }
0xa5: {  	s26 =	simm.s32 $execute0_lowered;
	[smem:$0x3FD2] =	sst s25  }
0xa6: {  	s5 =	sshll.u32 s26, $0x1;
	_ =	strace $0x80000049;
	[dreg:$0x1] =	wrdreg $0xFFFFFFFF  }
0xa7: {  	s28 =	simm.s32 $_size_execute0_lowered;
	s3 =	sadd.s32 s3, s5;
	[dreg:$0x0] =	wrdreg $0x0  }
0xa8: {  	s5 =	sshll.u32 s28, $0x1;
	[dreg:$0x2] =	wrdreg s3  }
0xa9: {  	[dreg:$0x3] =	wrdreg s5  }
0xaa: {  	[dreg:$0x4] =	wrdreg $0xC0  }
0xab: {  	_ =	task [dreg:s7], $0x5FFFF  }
0xac: {  	[dreg:$0x1] =	wrdreg $0xFFFFFFFF  }
0xad: {  	[dreg:$0x0] =	wrdreg $0x60  }
0xae: {  	[dreg:$0x2] =	wrdreg s24  }
0xaf: {  	[dreg:$0x3] =	wrdreg s2  }
0xb0: {  	[dreg:$0x4] =	wrdreg $0x90000  }
0xb1: {  	[dreg:$0x5] =	wrdreg $0x9  }
0xb2: {  	_ =	task.clear_ibuf [dreg:s7], $0x6FFFF;
	_ =	strace $0x90000049  }
0xb3: {  	s29 =	simm.s32 $0x9;
	_ =	strace $0x8000004B  }
0xb4: {  	_ =	swait.ge [sflag:s29], $0x1  }
0xb5: {  	[sflag:s29] =	ssyncadd.s32 $0xFFFFFFFF  }
0xb6: {  	_ =	strace $0x9000004B  }
0xb7: {  	_ =	sfence  }
0xb8: {  	s30 =	sld [smem:$0x0];
	_ =	sdelay $0x2  }
0xb9: {  	s31 =	sshll.u32 s1, $0xD;
	s1 =	sshrl.u32 s1, $0x2  }
0xba: {  	s3 =	sand.u32 $0x4000, s31;
	s1 =	sadd.s32 s1, s30  }
0xbb: {  	s0 =	sor.u32 s3, s0;
	s1 =	sshll.u32 s1, $0x11  }
0xbc: {  	s0 =	sor.u32 s1, s0  }
0xbd: {  	s0 =	sadd.s32 $0x8F2B, s0  }
0xbe: {  	[sflag:s0] =	ssyncadd.remote.s32 $0x1  }
0xbf: {  	_ =	sfence.sel $0xFFFF  }
0xc0: {  	[dreg:$0x0] =	wrdreg $0xFFFFFFFF;
	(pc) =	sbr.abs _section_cstart, $3  }
0xc1: {  	[dreg:$0x1] =	wrdreg $0xFFFFFFFF  }
0xc2: {  	_ =	task.clear_ibuf [dreg:s7], $0x2FFFF;
	_ =	strace $0x9FFFFFFF  }
0xc3: {  	(tm) =	ssettm $0x7FFFFFFF  }
tec
execute0_lowered:
.L_overlay_start_1:
0x0: {  	(tag) =	ssettag $0x1  }
0x1: {  	s5 =	rddreg [dreg:$0x0]  }
0x2: {  	s6 =	rddreg [dreg:$0x1]  }
0x3: {  	s2 =	rddreg [dreg:$0x2]  }
0x4: {  	s0 =	rddreg [dreg:$0x3]  }
0x5: {  	s1 =	stileid.u32;
	s4 =	srdreg.scid;
	s3 =	simm.s32 $0x0  }
0x6: {  	s14 =	simm.s32 $0x80;
	s15 =	simm.s32 $0x5000;
	s7 =	smul.u32 $0x2800, s1  }
0x7: {  	s16 =	simm.s32 $0x0;
	s8 =	smul.u32 $0x14000, s1;
	s9 =	sand.u32 $0x1, s4  }
0x8: {  	[smem:$0x7FF] =	sst s3;
	s4 =	sadd.s32 $0x80200, s5;
	s26 =	smul.u32 $0x50000, s1  }
0x9: {  	s31 =	sshll.u32 s1, $0x6;
	s11 =	smul.u32 $0x140000, s9;
	_ =	strace $0x8000004A  }
0xa: {  	s25 =	smul.u32 $0x28000, s9;
	s9 =	ssub.s32 $0x2, s9;
	s10 =	sshrl.u32 s7, $0x3  }
0xb: {  	s12 =	sshrl.u32 s8, $0x3;
	s13 =	sshrl.u32 s9, $0x1;
	s29 =	sshrl.u32 s26, $0x2  }
0xc: {  	s10 =	sadd.s32 s10, s5;
	s8 =	sadd.s32 s8, s11;
	s12 =	sadd.s32 s12, s5  }
0xd: {  	s7 =	sadd.s32 s7, s25;
	s9 =	ssub.s32 s9, s13;
	s30 =	sadd.s32 s29, s2  }
0xe: {  	s11 =	simm.s32 $0x2800;
	s8 =	sshrl.u32 s8, $0x3;
	s28 =	sshrl.u32 s7, $0x3  }
0xf: {  	s7 =	sadd.s32 $0x7A00, s12;
	s9 =	smax.u32 s9, $0x1;
	s12 =	sor.u32 $0x1C01, s31  }
0x10: {  	s13 =	sshrl.u32 s30, $0x3;
	s8 =	sadd.s32 s8, s5;
	s5 =	sadd.s32 s6, s28  }
0x11: {  	s6 =	sadd.s32 $0x2A00, s10;
	s10 =	simm.s32 $0x1;
	s8 =	sadd.s32 $0xD0200, s8  }
.LBB2_1:
0x12: {  	[tilespmem:s3], [sflag:$0x1] =	stream.linear.gather [hbm4b:s5+s3], $0x2800, $0x38;
	[tilespmem:$0x1D000] =	vst v63  }
0x13: {  	_ =	swait.ge [sflag:s10], $0x2800  }
0x14: {  	[sflag:s10] =	ssyncset.done $0x0  }
0x15: {  	[sflag:s10] =	ssyncadd.s32 $0xFFFFD800  }
0x16: {  	[tilespmem:s11], [sflag:$0x1] =	stream.linear.gather [hbm4b:s6+s3], $0x2800, $0x38;
	[tilespmem:$0x1D000] =	vst v63  }
0x17: {  	_ =	swait.ge [sflag:s10], $0x2800  }
0x18: {  	[sflag:s10] =	ssyncset.done $0x0  }
0x19: {  	[sflag:s10] =	ssyncadd.s32 $0xFFFFD800  }
0x1a: {  	[spmem:s13], [sflag:s12] =	dma.local [hbm:s7], $0x2800  }
0x1b: {  	_ =	swait.ge [sflag:s10], $0x2800  }
0x1c: {  	[sflag:s10] =	ssyncset.done $0x0  }
0x1d: {  	[sflag:s10] =	ssyncadd.s32 $0xFFFFD800  }
0x1e: {  	s17 =	simm.s32 $0x0;
	[bflag:$0x0] =	sbarrier.arrive $0xFFFF  }
0x1f: {  	[tilespmem:s15], [sflag:$0x1] =	stream.indirect.gather [hbm4b:s4+s14], $0x80, s17, s14, $0xb8;
	[tilespmem:$0x1D000] =	vst v63  }
0x20: {  	_ =	swait.ge [sflag:s10], $0x4000  }
0x21: {  	[sflag:s10] =	ssyncset.done $0x0  }
0x22: {  	s31 =	simm.s32 $0x2800;
	[sflag:s10] =	ssyncadd.s32 $0xFFFFC000  }
0x23: {  	[spmem:s2] =	stream.indirect.scatter.add.f32 [tilespmem:s15], [sflag:$0x1], $0x80, s31, s14, $0xb8;
	[tilespmem:$0x1D000] =	vst v63  }
0x24: {  	_ =	swait.ge [sflag:s10], $0x4000  }
0x25: {  	s18 =	simm.s32 $0x400;
	s17 =	simm.s32 $0x200;
	[sflag:s10] =	ssyncset.done $0x0  }
.LBB2_2:
0x26: {  	s19 =	sshra.s32 s17, $0x2  }
0x27: {  	[sflag:s10] =	ssyncadd.s32 $0xFFFFC000;
	s17 =	smov.u32 s18;
	s20 =	sadd.s32 $0x200, s18  }
0x28: {  	[tilespmem:s15], [sflag:$0x1] =	stream.indirect.gather [hbm4b:s4+s14], $0x80, s19, s14, $0xb8;
	[tilespmem:$0x1D000] =	vst v63  }
0x29: {  	p0 =	sne.s32 s18, $0x9E00;
	_ =	swait.ge [sflag:s10], $0x4000  }
.Ltmp0:
0x2a: {  	[sflag:s10] =	ssyncset.done $0x0;
	(pc) =	sbr.rel @p0 .LBB2_2-.Ltmp0, $4  }
0x2b: {  	s18 =	sadd.s32 $0x2800, s19;
	[sflag:s10] =	ssyncadd.s32 $0xFFFFC000  }
0x2c: {  	[spmem:s2] =	stream.indirect.scatter.add.f32 [tilespmem:s15], [sflag:$0x1], $0x80, s18, s14, $0xb8;
	[tilespmem:$0x1D000] =	vst v63  }
0x2d: {  	_ =	swait.ge [sflag:s10], $0x4000  }
0x2e: {  	s18 =	smov.u32 s20;
	[sflag:s10] =	ssyncset.done $0x0  }
0x2f: {  	s17 =	sshra.s32 s17, $0x2;
	[sflag:s10] =	ssyncadd.s32 $0xFFFFC000  }
0x30: {  	[tilespmem:s15], [sflag:$0x1] =	stream.indirect.gather [hbm4b:s4+s14], $0x80, s17, s14, $0xb8;
	[tilespmem:$0x1D000] =	vst v63  }
0x31: {  	_ =	swait.ge [sflag:s10], $0x4000  }
0x32: {  	[sflag:s10] =	ssyncset.done $0x0  }
0x33: {  	s17 =	sadd.s32 $0x2800, s17;
	[sflag:s10] =	ssyncadd.s32 $0xFFFFC000  }
0x34: {  	[spmem:s2] =	stream.indirect.scatter.add.f32 [tilespmem:s15], [sflag:$0x1], $0x80, s17, s14, $0xb8;
	[tilespmem:$0x1D000] =	vst v63  }
0x35: {  	_ =	swait.ge [sflag:s10], $0x4000  }
0x36: {  	s16 =	sadd.s32 $0x1, s16;
	[sflag:s10] =	ssyncset.done $0x0  }
0x37: {  	p0 =	sne.s32 s16, s9;
	[sflag:s10] =	ssyncadd.s32 $0xFFFFC000  }
.Ltmp1:
0x38: {  	[bflag:$0x0] =	sbarrier.arrive $0xFFFF;
	(pc) =	sbr.rel @p0 .LBB2_1-.Ltmp1, $4  }
0x39: {  	[hbm:s8], [sflag:s12] =	dma.local [spmem:s13], $0x2800  }
0x3a: {  	_ =	swait.ge [sflag:s10], $0x2800  }
0x3b: {  	[sflag:s10] =	ssyncset.done $0x0  }
0x3c: {  	[sflag:s10] =	ssyncadd.s32 $0xFFFFD800  }
0x3d: {  	_ =	sfence.sel $0x180000  }
0x3e: {  	[bflag:$0x0] =	sbarrier.arrive $0xFFFF  }
0x3f: {  	p0 =	sne.s32 s1, $0x0;
	_ =	strace $0x9000004A  }
0x40: {  	s0 =	sadd.s32 @!p0 $0x100000, s0;
	[bflag:$0x2] =	sbarrier.arrive $0xFFFF  }
0x41: {  	[sflag:s0] =	ssyncadd.tile.s32 @!p0 $0x1;
	_ =	shalt  }
.Lfunc_end2:
_tile_overlayer_lowered:
.L_overlay_start_2:
0x42: {  	(tag) =	ssettag $0x2  }
0x43: {  	s0 =	rddreg [dreg:$0x0];
	s2 =	stileid.u32  }
0x44: {  	s1 =	rddreg [dreg:$0x1];
	p0 =	sne.s32 s2, $0x0  }
0x45: {  	s3 =	rddreg [dreg:$0x2];
	[bflag:$0x3] =	sbarrier.arrive $0xFFFF;
	s2 =	simm.s32 @!p0 $0x1C01  }
0x46: {  	[timem:s3], [sflag:s2] =	dma.local @!p0 [hbm:s0], s1  }
0x47: {  	s0 =	simm.s32 @!p0 $0x1  }
0x48: {  	_ =	swait.ge @!p0 [sflag:s0], s1  }
0x49: {  	s1 =	ssub.s32 @!p0 $0x0, s1;
	[sflag:s0] =	ssyncset.done @!p0 $0x0  }
0x4a: {  	[sflag:s0] =	ssyncadd.s32 @!p0 s1  }
0x4b: {  	[bflag:$0x3] =	sbarrier.arrive $0xFFFF  }
0x4c: {  	_ =	shalt  }

// kernel: kernel.14.cloned.1.call-start
scs
__scs_entry_jumppad:
0x0: {  	(pc) =	sbr.rel $0x88, $3  }
0x1: {  	(tag) =	ssettag $0x0;
	lr =	simm.s32 $0x1  }
0x2: {  	[smem:$0x3F97] =	sst lr;
	_ =	strace $0xD0000000  }
0x3: {  	_ = 	snop  }
0x4: {  	_ = 	snop  }
0x5: {  	_ = 	snop  }
0x6: {  	_ = 	snop  }
0x7: {  	_ = 	snop  }
__scs_overlays_trampoline_lowered:
0x8: {  	[smem:$0x3FA6] =	sst s0  }
0x9: {  	[smem:$0x3FA7] =	sst s1  }
0xa: {  	[smem:$0x3FA8] =	sst s2  }
0xb: {  	[smem:$0x3FA9] =	sst s3  }
0xc: {  	[smem:$0x3FAA] =	sst s4  }
0xd: {  	[smem:$0x3FAB] =	sst s5  }
0xe: {  	[smem:$0x3FAC] =	sst s6  }
0xf: {  	[smem:$0x3FAD] =	sst s7  }
0x10: {  	[smem:$0x3FAE] =	sst s8  }
0x11: {  	[smem:$0x3FAF] =	sst s9;
	s0 =	simm.s32 @!p0 $0x0  }
0x12: {  	s1 =	sld [smem:$0x3F95];
	s0 =	simm.s32 @p0 $0x1  }
0x13: {  	[smem:$0x3FB0] =	sst s0;
	s0 =	simm.s32 @!p1 $0x0  }
0x14: {  	s2 =	sld [smem:$0x3F94];
	s0 =	simm.s32 @p1 $0x1  }
0x15: {  	[smem:$0x3FB1] =	sst s0;
	s0 =	simm.s32 @!p2 $0x0  }
0x16: {  	s3 =	sld [smem:$0x3FDB];
	s0 =	simm.s32 @p2 $0x1  }
0x17: {  	s4 =	simm.s32 $0x1BF5;
	[smem:$0x3FB3] =	sst s0  }
0x18: {  	s0 =	sld [smem:$0x3F96];
	_ =	swait.ge [sflag:s4], $0x0  }
0x19: {  	s7 =	sld [smem:$0x3F97]  }
0x1a: {  	s8 =	sadd.s32 $0xFFFFE003, lr  }
0x1b: {  	s9 =	sadd.s32 $0xFFFFFEF7, lr;
	s5 =	simm.s32 $0xFFFFFFFF;
	p2 =	slt.u32 s8, $0xFFFFF086  }
0x1c: {  	p1 =	slt.u32 s9, $0xF7A;
	s5 =	simm.s32 @!p2 $0x0  }
0x1d: {  	s5 =	simm.s32 @p1 $0x1;
	p0 =	seq.s32 s7, s2  }
0x1e: {  	s7 =	smul.u32 @!p0 $0xF7A, s2;
	p2 =	seq.s32 @!p0 s5, $0x0  }
0x1f: {  	s9 =	smul.u32 $0xF7A, s1;
	s8 =	simm.s32 @!p0 $0x1BF5;
	p2 =	por !p2, p0  }
0x20: {  	[sflag:s8] =	ssyncset.s32 @!p0 $0xFFFFF086;
	s6 =	sadd.s32 @!p0 s3, s7;
	s7 =	simm.s32 @!p0 $0x108  }
0x21: {  	s3 =	sadd.s32 s3, s9;
	s6 =	sadd.s32 @!p0 $0x88, s6;
	s7 =	simm.s32 @p2 $0x1082  }
0x22: {  	[simem:s7], [sflag:s8] =	dma.local @!p0 [hbm:s6], $0xF7A  }
0x23: {  	s9 =	sor.u32 $0xD0000000, s2;
	s6 =	simm.s32 $0x108;
	_ =	swait.ge @!p0 [sflag:s8], $0x0  }
0x24: {  	s3 =	sadd.s32 $0x88, s3;
	s6 =	simm.s32 @!p1 $0x1082;
	[sflag:s4] =	ssyncset.s32 $0xFFFFF086  }
0x25: {  	[simem:s6], [sflag:s4] =	dma.local [hbm:s3], $0xF7A  }
0x26: {  	[smem:$0x3F97] =	sst s1;
	(tag) =	ssettag s2;
	_ =	strace s9  }
0x27: {  	s1 =	sld [smem:$0x3FA7]  }
0x28: {  	s2 =	sld [smem:$0x3FA8]  }
0x29: {  	s4 =	sld [smem:$0x3FAA]  }
0x2a: {  	p0 =	seq.s32 s5, $0x0;
	s5 =	sld [smem:$0x3FAB]  }
0x2b: {  	s6 =	sld [smem:$0x3FAC]  }
0x2c: {  	s7 =	sld [smem:$0x3FAD]  }
0x2d: {  	s3 =	simm.s32 $0x108;
	s8 =	sld [smem:$0x3FAE]  }
0x2e: {  	s3 =	simm.s32 @!p0 $0x1082;
	s9 =	sld [smem:$0x3FAF]  }
0x2f: {  	lr =	sadd.s32 s0, s3;
	s0 =	sld [smem:$0x3FA6]  }
0x30: {  	s3 =	sld [smem:$0x3FA9]  }
0x31: {  	[smem:$0x3FB2] =	sst s10  }
0x32: {  	s10 =	sld [smem:$0x3FB0];
	_ =	sdelay $0x3  }
0x33: {  	p0 =	seq.s32 s10, $0x1;
	s10 =	sld [smem:$0x3FB2];
	_ =	sdelay $0x3  }
0x34: {  	[smem:$0x3FB2] =	sst s10  }
0x35: {  	s10 =	sld [smem:$0x3FB1];
	_ =	sdelay $0x3  }
0x36: {  	p1 =	seq.s32 s10, $0x1;
	s10 =	sld [smem:$0x3FB2];
	_ =	sdelay $0x3  }
0x37: {  	[smem:$0x3FB2] =	sst s10  }
0x38: {  	s10 =	sld [smem:$0x3FB3]  }
0x39: {  	_ = 	snop;
	(pc) =	sbr.ind lr, $3  }
0x3a: {  	_ = 	snop  }
0x3b: {  	_ = 	snop  }
0x3c: {  	p2 =	seq.s32 s10, $0x1;
	s10 =	sld [smem:$0x3FB2]  }
0x3d: {  	_ =	shalt  }
0x3e: {  	_ =	shalt  }
0x3f: {  	_ =	shalt  }
0x40: {  	_ =	shalt  }
0x41: {  	_ =	shalt  }
0x42: {  	_ =	shalt  }
0x43: {  	_ =	shalt  }
0x44: {  	_ =	shalt  }
0x45: {  	_ =	shalt  }
0x46: {  	_ =	shalt  }
0x47: {  	_ =	shalt  }
0x48: {  	_ =	shalt  }
0x49: {  	_ =	shalt  }
0x4a: {  	_ =	shalt  }
0x4b: {  	_ =	shalt  }
0x4c: {  	_ =	shalt  }
0x4d: {  	_ =	shalt  }
0x4e: {  	_ =	shalt  }
0x4f: {  	_ =	shalt  }
0x50: {  	_ =	shalt  }
0x51: {  	_ =	shalt  }
0x52: {  	_ =	shalt  }
0x53: {  	_ =	shalt  }
0x54: {  	_ =	shalt  }
0x55: {  	_ =	shalt  }
0x56: {  	_ =	shalt  }
0x57: {  	_ =	shalt  }
0x58: {  	_ =	shalt  }
0x59: {  	_ =	shalt  }
0x5a: {  	_ =	shalt  }
0x5b: {  	_ =	shalt  }
0x5c: {  	_ =	shalt  }
0x5d: {  	_ =	shalt  }
0x5e: {  	_ =	shalt  }
0x5f: {  	_ =	shalt  }
0x60: {  	_ =	shalt  }
0x61: {  	_ =	shalt  }
0x62: {  	_ =	shalt  }
0x63: {  	_ =	shalt  }
0x64: {  	_ =	shalt  }
0x65: {  	_ =	shalt  }
0x66: {  	_ =	shalt  }
0x67: {  	_ =	shalt  }
0x68: {  	_ =	shalt  }
0x69: {  	_ =	shalt  }
0x6a: {  	_ =	shalt  }
0x6b: {  	_ =	shalt  }
0x6c: {  	_ =	shalt  }
0x6d: {  	_ =	shalt  }
0x6e: {  	_ =	shalt  }
0x6f: {  	_ =	shalt  }
0x70: {  	_ =	shalt  }
0x71: {  	_ =	shalt  }
0x72: {  	_ =	shalt  }
0x73: {  	_ =	shalt  }
0x74: {  	_ =	shalt  }
0x75: {  	_ =	shalt  }
0x76: {  	_ =	shalt  }
0x77: {  	_ =	shalt  }
0x78: {  	_ =	shalt  }
0x79: {  	_ =	shalt  }
0x7a: {  	_ =	shalt  }
0x7b: {  	_ =	shalt  }
0x7c: {  	_ =	shalt  }
0x7d: {  	_ =	shalt  }
0x7e: {  	_ =	shalt  }
0x7f: {  	_ =	shalt  }
0x80: {  	_ =	shalt  }
0x81: {  	_ =	shalt  }
0x82: {  	_ =	shalt  }
0x83: {  	_ =	shalt  }
0x84: {  	_ =	shalt  }
0x85: {  	_ =	shalt  }
0x86: {  	_ =	shalt  }
0x87: {  	_ =	shalt  }
.Lfunc_end0:
.L_simem_size_0:
called_computation.2_lowered:
.L_overlay_start_0:
0x88: {  	s2 =	sld [smem:$0x3FD9]  }
0x89: {  	s3 =	sld [smem:$0x3FFE];
	_ =	sdelay $0x1  }
0x8a: {  	s1 =	srdreg.scid  }
0x8b: {  	s0 =	sand.u32 $0x1, s1  }
0x8c: {  	s17 =	sshll.u32 s0, $0xA;
	s2 =	sadd.s32 s3, s2  }
0x8d: {  	s2 =	sadd.s32 s2, s17  }
0x8e: {  	[smem:$0x3FBE] =	sst s2  }
0x8f: {  	_ = 	snop  }
0x90: {  	s2 =	sld [smem:$0x3FD0];
	(tm) =	ssettm $0x1  }
0x91: {  	s18 =	sld [smem:$0x3FFB];
	_ =	sdelay $0x3  }
0x92: {  	_ =	strace s18  }
0x93: {  	s3 =	sld [smem:$0x3FFC];
	_ =	sdelay $0x3  }
0x94: {  	_ =	strace s3  }
0x95: {  	s3 =	sld [smem:$0x3FFD];
	_ =	sdelay $0x3  }
0x96: {  	_ =	strace s3  }
0x97: {  	_ =	strace $0x8FFFFFFF  }
0x98: {  	s19 =	sld [smem:$0x3FDB];
	_ =	sdelay $0x1  }
0x99: {  	s4 =	simm.s32 $_scs_section_size  }
0x9a: {  	s5 =	simm.s32 $_size__tile_overlayer_lowered;
	s6 =	simm.s32 $_tile_overlayer_lowered  }
0x9b: {  	s22 =	simm.s32 $0x1BFF;
	s21 =	sshll.u32 s6, $0x1;
	s3 =	sadd.s32 s4, s19  }
0x9c: {  	s7 =	simm.s32 $0x0;
	s20 =	sshll.u32 s5, $0x1;
	s5 =	sadd.s32 s21, s3  }
0x9d: {  	[timem:s7], [sflag:s22] =	dma.local [hbm:s5], s20  }
0x9e: {  	_ =	swait.ge [sflag:s22], s20  }
0x9f: {  	s4 =	ssub.s32 $0x0, s20;
	[sflag:s22] =	ssyncset.done $0x0  }
0xa0: {  	[sflag:s22] =	ssyncadd.s32 s4;
	_ =	sdelay $0x1  }
0xa1: {  	s23 =	simm.s32 $0x1B8B  }
0xa2: {  	_ =	swait.ge [sflag:s23], $0x1  }
0xa3: {  	[sflag:s23] =	ssyncset.done $0x0  }
0xa4: {  	s25 =	simm.s32 $0x1B8E;
	s24 =	sld [smem:$0x3FFE];
	[sflag:s23] =	ssyncadd.s32 $0xFFFFFFFF  }
0xa5: {  	s26 =	simm.s32 $execute0_lowered;
	[smem:$0x3FD2] =	sst s25  }
0xa6: {  	s5 =	sshll.u32 s26, $0x1;
	_ =	strace $0x8000004C;
	[dreg:$0x1] =	wrdreg $0xFFFFFFFF  }
0xa7: {  	s28 =	simm.s32 $_size_execute0_lowered;
	s3 =	sadd.s32 s3, s5;
	[dreg:$0x0] =	wrdreg $0x0  }
0xa8: {  	s5 =	sshll.u32 s28, $0x1;
	[dreg:$0x2] =	wrdreg s3  }
0xa9: {  	[dreg:$0x3] =	wrdreg s5  }
0xaa: {  	[dreg:$0x4] =	wrdreg $0xC0  }
0xab: {  	_ =	task [dreg:s7], $0x5FFFF  }
0xac: {  	[dreg:$0x1] =	wrdreg $0xFFFFFFFF  }
0xad: {  	[dreg:$0x0] =	wrdreg $0x60  }
0xae: {  	[dreg:$0x2] =	wrdreg s24  }
0xaf: {  	[dreg:$0x3] =	wrdreg s2  }
0xb0: {  	[dreg:$0x4] =	wrdreg $0x90000  }
0xb1: {  	[dreg:$0x5] =	wrdreg $0x9  }
0xb2: {  	_ =	task.clear_ibuf [dreg:s7], $0x6FFFF;
	_ =	strace $0x9000004C  }
0xb3: {  	s29 =	simm.s32 $0x9;
	_ =	strace $0x8000004E  }
0xb4: {  	_ =	swait.ge [sflag:s29], $0x1  }
0xb5: {  	[sflag:s29] =	ssyncadd.s32 $0xFFFFFFFF  }
0xb6: {  	_ =	strace $0x9000004E  }
0xb7: {  	_ =	sfence  }
0xb8: {  	s30 =	sld [smem:$0x0];
	_ =	sdelay $0x2  }
0xb9: {  	s31 =	sshll.u32 s1, $0xD;
	s1 =	sshrl.u32 s1, $0x2  }
0xba: {  	s3 =	sand.u32 $0x4000, s31;
	s1 =	sadd.s32 s1, s30  }
0xbb: {  	s0 =	sor.u32 s3, s0;
	s1 =	sshll.u32 s1, $0x11  }
0xbc: {  	s0 =	sor.u32 s1, s0  }
0xbd: {  	s0 =	sadd.s32 $0x8F2B, s0  }
0xbe: {  	[sflag:s0] =	ssyncadd.remote.s32 $0x1  }
0xbf: {  	_ =	sfence.sel $0xFFFF  }
0xc0: {  	[dreg:$0x0] =	wrdreg $0xFFFFFFFF;
	(pc) =	sbr.abs _section_cstart, $3  }
0xc1: {  	[dreg:$0x1] =	wrdreg $0xFFFFFFFF  }
0xc2: {  	_ =	task.clear_ibuf [dreg:s7], $0x2FFFF;
	_ =	strace $0x9FFFFFFF  }
0xc3: {  	(tm) =	ssettm $0x7FFFFFFF  }
tec
execute0_lowered:
.L_overlay_start_1:
0x0: {  	(tag) =	ssettag $0x1  }
0x1: {  	s5 =	rddreg [dreg:$0x0]  }
0x2: {  	s6 =	rddreg [dreg:$0x1]  }
0x3: {  	s2 =	rddreg [dreg:$0x2]  }
0x4: {  	s0 =	rddreg [dreg:$0x3]  }
0x5: {  	s1 =	stileid.u32;
	s4 =	srdreg.scid;
	s3 =	simm.s32 $0x0  }
0x6: {  	s14 =	simm.s32 $0x80;
	s15 =	simm.s32 $0x5000;
	s7 =	smul.u32 $0x2800, s1  }
0x7: {  	s16 =	simm.s32 $0x0;
	s8 =	smul.u32 $0x14000, s1;
	s9 =	sand.u32 $0x1, s4  }
0x8: {  	[smem:$0x7FF] =	sst s3;
	s4 =	sadd.s32 $0x80200, s5;
	s26 =	smul.u32 $0x50000, s1  }
0x9: {  	s31 =	sshll.u32 s1, $0x6;
	s11 =	smul.u32 $0x140000, s9;
	_ =	strace $0x8000004D  }
0xa: {  	s25 =	smul.u32 $0x28000, s9;
	s9 =	ssub.s32 $0x2, s9;
	s10 =	sshrl.u32 s7, $0x3  }
0xb: {  	s12 =	sshrl.u32 s8, $0x3;
	s13 =	sshrl.u32 s9, $0x1;
	s29 =	sshrl.u32 s26, $0x2  }
0xc: {  	s10 =	sadd.s32 s10, s5;
	s8 =	sadd.s32 s8, s11;
	s12 =	sadd.s32 s12, s5  }
0xd: {  	s7 =	sadd.s32 s7, s25;
	s9 =	ssub.s32 s9, s13;
	s30 =	sadd.s32 s29, s2  }
0xe: {  	s11 =	simm.s32 $0x2800;
	s8 =	sshrl.u32 s8, $0x3;
	s28 =	sshrl.u32 s7, $0x3  }
0xf: {  	s7 =	sadd.s32 $0x7A00, s12;
	s9 =	smax.u32 s9, $0x1;
	s12 =	sor.u32 $0x1C01, s31  }
0x10: {  	s13 =	sshrl.u32 s30, $0x3;
	s8 =	sadd.s32 s8, s5;
	s5 =	sadd.s32 s6, s28  }
0x11: {  	s6 =	sadd.s32 $0x2A00, s10;
	s10 =	simm.s32 $0x1;
	s8 =	sadd.s32 $0xD0200, s8  }
.LBB2_1:
0x12: {  	[tilespmem:s3], [sflag:$0x1] =	stream.linear.gather [hbm4b:s5+s3], $0x2800, $0x38;
	[tilespmem:$0x1D000] =	vst v63  }
0x13: {  	_ =	swait.ge [sflag:s10], $0x2800  }
0x14: {  	[sflag:s10] =	ssyncset.done $0x0  }
0x15: {  	[sflag:s10] =	ssyncadd.s32 $0xFFFFD800  }
0x16: {  	[tilespmem:s11], [sflag:$0x1] =	stream.linear.gather [hbm4b:s6+s3], $0x2800, $0x38;
	[tilespmem:$0x1D000] =	vst v63  }
0x17: {  	_ =	swait.ge [sflag:s10], $0x2800  }
0x18: {  	[sflag:s10] =	ssyncset.done $0x0  }
0x19: {  	[sflag:s10] =	ssyncadd.s32 $0xFFFFD800  }
0x1a: {  	[spmem:s13], [sflag:s12] =	dma.local [hbm:s7], $0x2800  }
0x1b: {  	_ =	swait.ge [sflag:s10], $0x2800  }
0x1c: {  	[sflag:s10] =	ssyncset.done $0x0  }
0x1d: {  	[sflag:s10] =	ssyncadd.s32 $0xFFFFD800  }
0x1e: {  	s17 =	simm.s32 $0x0;
	[bflag:$0x0] =	sbarrier.arrive $0xFFFF  }
0x1f: {  	[tilespmem:s15], [sflag:$0x1] =	stream.indirect.gather [hbm4b:s4+s14], $0x80, s17, s14, $0xb8;
	[tilespmem:$0x1D000] =	vst v63  }
0x20: {  	_ =	swait.ge [sflag:s10], $0x4000  }
0x21: {  	[sflag:s10] =	ssyncset.done $0x0  }
0x22: {  	s31 =	simm.s32 $0x2800;
	[sflag:s10] =	ssyncadd.s32 $0xFFFFC000  }
0x23: {  	[spmem:s2] =	stream.indirect.scatter.add.f32 [tilespmem:s15], [sflag:$0x1], $0x80, s31, s14, $0xb8;
	[tilespmem:$0x1D000] =	vst v63  }
0x24: {  	_ =	swait.ge [sflag:s10], $0x4000  }
0x25: {  	s18 =	simm.s32 $0x400;
	s17 =	simm.s32 $0x200;
	[sflag:s10] =	ssyncset.done $0x0  }
.LBB2_2:
0x26: {  	s19 =	sshra.s32 s17, $0x2  }
0x27: {  	[sflag:s10] =	ssyncadd.s32 $0xFFFFC000;
	s17 =	smov.u32 s18;
	s20 =	sadd.s32 $0x200, s18  }
0x28: {  	[tilespmem:s15], [sflag:$0x1] =	stream.indirect.gather [hbm4b:s4+s14], $0x80, s19, s14, $0xb8;
	[tilespmem:$0x1D000] =	vst v63  }
0x29: {  	p0 =	sne.s32 s18, $0x9E00;
	_ =	swait.ge [sflag:s10], $0x4000  }
.Ltmp0:
0x2a: {  	[sflag:s10] =	ssyncset.done $0x0;
	(pc) =	sbr.rel @p0 .LBB2_2-.Ltmp0, $4  }
0x2b: {  	s18 =	sadd.s32 $0x2800, s19;
	[sflag:s10] =	ssyncadd.s32 $0xFFFFC000  }
0x2c: {  	[spmem:s2] =	stream.indirect.scatter.add.f32 [tilespmem:s15], [sflag:$0x1], $0x80, s18, s14, $0xb8;
	[tilespmem:$0x1D000] =	vst v63  }
0x2d: {  	_ =	swait.ge [sflag:s10], $0x4000  }
0x2e: {  	s18 =	smov.u32 s20;
	[sflag:s10] =	ssyncset.done $0x0  }
0x2f: {  	s17 =	sshra.s32 s17, $0x2;
	[sflag:s10] =	ssyncadd.s32 $0xFFFFC000  }
0x30: {  	[tilespmem:s15], [sflag:$0x1] =	stream.indirect.gather [hbm4b:s4+s14], $0x80, s17, s14, $0xb8;
	[tilespmem:$0x1D000] =	vst v63  }
0x31: {  	_ =	swait.ge [sflag:s10], $0x4000  }
0x32: {  	[sflag:s10] =	ssyncset.done $0x0  }
0x33: {  	s17 =	sadd.s32 $0x2800, s17;
	[sflag:s10] =	ssyncadd.s32 $0xFFFFC000  }
0x34: {  	[spmem:s2] =	stream.indirect.scatter.add.f32 [tilespmem:s15], [sflag:$0x1], $0x80, s17, s14, $0xb8;
	[tilespmem:$0x1D000] =	vst v63  }
0x35: {  	_ =	swait.ge [sflag:s10], $0x4000  }
0x36: {  	s16 =	sadd.s32 $0x1, s16;
	[sflag:s10] =	ssyncset.done $0x0  }
0x37: {  	p0 =	sne.s32 s16, s9;
	[sflag:s10] =	ssyncadd.s32 $0xFFFFC000  }
.Ltmp1:
0x38: {  	[bflag:$0x0] =	sbarrier.arrive $0xFFFF;
	(pc) =	sbr.rel @p0 .LBB2_1-.Ltmp1, $4  }
0x39: {  	[hbm:s8], [sflag:s12] =	dma.local [spmem:s13], $0x2800  }
0x3a: {  	_ =	swait.ge [sflag:s10], $0x2800  }
0x3b: {  	[sflag:s10] =	ssyncset.done $0x0  }
0x3c: {  	[sflag:s10] =	ssyncadd.s32 $0xFFFFD800  }
0x3d: {  	_ =	sfence.sel $0x180000  }
0x3e: {  	[bflag:$0x0] =	sbarrier.arrive $0xFFFF  }
0x3f: {  	p0 =	sne.s32 s1, $0x0;
	_ =	strace $0x9000004D  }
0x40: {  	s0 =	sadd.s32 @!p0 $0x100000, s0;
	[bflag:$0x2] =	sbarrier.arrive $0xFFFF  }
0x41: {  	[sflag:s0] =	ssyncadd.tile.s32 @!p0 $0x1;
	_ =	shalt  }
.Lfunc_end2:
_tile_overlayer_lowered:
.L_overlay_start_2:
0x42: {  	(tag) =	ssettag $0x2  }
0x43: {  	s0 =	rddreg [dreg:$0x0];
	s2 =	stileid.u32  }
0x44: {  	s1 =	rddreg [dreg:$0x1];
	p0 =	sne.s32 s2, $0x0  }
0x45: {  	s3 =	rddreg [dreg:$0x2];
	[bflag:$0x3] =	sbarrier.arrive $0xFFFF;
	s2 =	simm.s32 @!p0 $0x1C01  }
0x46: {  	[timem:s3], [sflag:s2] =	dma.local @!p0 [hbm:s0], s1  }
0x47: {  	s0 =	simm.s32 @!p0 $0x1  }
0x48: {  	_ =	swait.ge @!p0 [sflag:s0], s1  }
0x49: {  	s1 =	ssub.s32 @!p0 $0x0, s1;
	[sflag:s0] =	ssyncset.done @!p0 $0x0  }
0x4a: {  	[sflag:s0] =	ssyncadd.s32 @!p0 s1  }
0x4b: {  	[bflag:$0x3] =	sbarrier.arrive $0xFFFF  }
0x4c: {  	_ =	shalt  }

// kernel: kernel.8.cloned.1.call-start
scs
__scs_entry_jumppad:
0x0: {  	(pc) =	sbr.rel $0x88, $3  }
0x1: {  	(tag) =	ssettag $0x0;
	lr =	simm.s32 $0x1  }
0x2: {  	[smem:$0x3F97] =	sst lr;
	_ =	strace $0xD0000000  }
0x3: {  	_ = 	snop  }
0x4: {  	_ = 	snop  }
0x5: {  	_ = 	snop  }
0x6: {  	_ = 	snop  }
0x7: {  	_ = 	snop  }
__scs_overlays_trampoline_lowered:
0x8: {  	[smem:$0x3FA6] =	sst s0  }
0x9: {  	[smem:$0x3FA7] =	sst s1  }
0xa: {  	[smem:$0x3FA8] =	sst s2  }
0xb: {  	[smem:$0x3FA9] =	sst s3  }
0xc: {  	[smem:$0x3FAA] =	sst s4  }
0xd: {  	[smem:$0x3FAB] =	sst s5  }
0xe: {  	[smem:$0x3FAC] =	sst s6  }
0xf: {  	[smem:$0x3FAD] =	sst s7  }
0x10: {  	[smem:$0x3FAE] =	sst s8  }
0x11: {  	[smem:$0x3FAF] =	sst s9;
	s0 =	simm.s32 @!p0 $0x0  }
0x12: {  	s1 =	sld [smem:$0x3F95];
	s0 =	simm.s32 @p0 $0x1  }
0x13: {  	[smem:$0x3FB0] =	sst s0;
	s0 =	simm.s32 @!p1 $0x0  }
0x14: {  	s2 =	sld [smem:$0x3F94];
	s0 =	simm.s32 @p1 $0x1  }
0x15: {  	[smem:$0x3FB1] =	sst s0;
	s0 =	simm.s32 @!p2 $0x0  }
0x16: {  	s3 =	sld [smem:$0x3FDB];
	s0 =	simm.s32 @p2 $0x1  }
0x17: {  	s4 =	simm.s32 $0x1BF5;
	[smem:$0x3FB3] =	sst s0  }
0x18: {  	s0 =	sld [smem:$0x3F96];
	_ =	swait.ge [sflag:s4], $0x0  }
0x19: {  	s7 =	sld [smem:$0x3F97]  }
0x1a: {  	s8 =	sadd.s32 $0xFFFFE003, lr  }
0x1b: {  	s9 =	sadd.s32 $0xFFFFFEF7, lr;
	s5 =	simm.s32 $0xFFFFFFFF;
	p2 =	slt.u32 s8, $0xFFFFF086  }
0x1c: {  	p1 =	slt.u32 s9, $0xF7A;
	s5 =	simm.s32 @!p2 $0x0  }
0x1d: {  	s5 =	simm.s32 @p1 $0x1;
	p0 =	seq.s32 s7, s2  }
0x1e: {  	s7 =	smul.u32 @!p0 $0xF7A, s2;
	p2 =	seq.s32 @!p0 s5, $0x0  }
0x1f: {  	s9 =	smul.u32 $0xF7A, s1;
	s8 =	simm.s32 @!p0 $0x1BF5;
	p2 =	por !p2, p0  }
0x20: {  	[sflag:s8] =	ssyncset.s32 @!p0 $0xFFFFF086;
	s6 =	sadd.s32 @!p0 s3, s7;
	s7 =	simm.s32 @!p0 $0x108  }
0x21: {  	s3 =	sadd.s32 s3, s9;
	s6 =	sadd.s32 @!p0 $0x88, s6;
	s7 =	simm.s32 @p2 $0x1082  }
0x22: {  	[simem:s7], [sflag:s8] =	dma.local @!p0 [hbm:s6], $0xF7A  }
0x23: {  	s9 =	sor.u32 $0xD0000000, s2;
	s6 =	simm.s32 $0x108;
	_ =	swait.ge @!p0 [sflag:s8], $0x0  }
0x24: {  	s3 =	sadd.s32 $0x88, s3;
	s6 =	simm.s32 @!p1 $0x1082;
	[sflag:s4] =	ssyncset.s32 $0xFFFFF086  }
0x25: {  	[simem:s6], [sflag:s4] =	dma.local [hbm:s3], $0xF7A  }
0x26: {  	[smem:$0x3F97] =	sst s1;
	(tag) =	ssettag s2;
	_ =	strace s9  }
0x27: {  	s1 =	sld [smem:$0x3FA7]  }
0x28: {  	s2 =	sld [smem:$0x3FA8]  }
0x29: {  	s4 =	sld [smem:$0x3FAA]  }
0x2a: {  	p0 =	seq.s32 s5, $0x0;
	s5 =	sld [smem:$0x3FAB]  }
0x2b: {  	s6 =	sld [smem:$0x3FAC]  }
0x2c: {  	s7 =	sld [smem:$0x3FAD]  }
0x2d: {  	s3 =	simm.s32 $0x108;
	s8 =	sld [smem:$0x3FAE]  }
0x2e: {  	s3 =	simm.s32 @!p0 $0x1082;
	s9 =	sld [smem:$0x3FAF]  }
0x2f: {  	lr =	sadd.s32 s0, s3;
	s0 =	sld [smem:$0x3FA6]  }
0x30: {  	s3 =	sld [smem:$0x3FA9]  }
0x31: {  	[smem:$0x3FB2] =	sst s10  }
0x32: {  	s10 =	sld [smem:$0x3FB0];
	_ =	sdelay $0x3  }
0x33: {  	p0 =	seq.s32 s10, $0x1;
	s10 =	sld [smem:$0x3FB2];
	_ =	sdelay $0x3  }
0x34: {  	[smem:$0x3FB2] =	sst s10  }
0x35: {  	s10 =	sld [smem:$0x3FB1];
	_ =	sdelay $0x3  }
0x36: {  	p1 =	seq.s32 s10, $0x1;
	s10 =	sld [smem:$0x3FB2];
	_ =	sdelay $0x3  }
0x37: {  	[smem:$0x3FB2] =	sst s10  }
0x38: {  	s10 =	sld [smem:$0x3FB3]  }
0x39: {  	_ = 	snop;
	(pc) =	sbr.ind lr, $3  }
0x3a: {  	_ = 	snop  }
0x3b: {  	_ = 	snop  }
0x3c: {  	p2 =	seq.s32 s10, $0x1;
	s10 =	sld [smem:$0x3FB2]  }
0x3d: {  	_ =	shalt  }
0x3e: {  	_ =	shalt  }
0x3f: {  	_ =	shalt  }
0x40: {  	_ =	shalt  }
0x41: {  	_ =	shalt  }
0x42: {  	_ =	shalt  }
0x43: {  	_ =	shalt  }
0x44: {  	_ =	shalt  }
0x45: {  	_ =	shalt  }
0x46: {  	_ =	shalt  }
0x47: {  	_ =	shalt  }
0x48: {  	_ =	shalt  }
0x49: {  	_ =	shalt  }
0x4a: {  	_ =	shalt  }
0x4b: {  	_ =	shalt  }
0x4c: {  	_ =	shalt  }
0x4d: {  	_ =	shalt  }
0x4e: {  	_ =	shalt  }
0x4f: {  	_ =	shalt  }
0x50: {  	_ =	shalt  }
0x51: {  	_ =	shalt  }
0x52: {  	_ =	shalt  }
0x53: {  	_ =	shalt  }
0x54: {  	_ =	shalt  }
0x55: {  	_ =	shalt  }
0x56: {  	_ =	shalt  }
0x57: {  	_ =	shalt  }
0x58: {  	_ =	shalt  }
0x59: {  	_ =	shalt  }
0x5a: {  	_ =	shalt  }
0x5b: {  	_ =	shalt  }
0x5c: {  	_ =	shalt  }
0x5d: {  	_ =	shalt  }
0x5e: {  	_ =	shalt  }
0x5f: {  	_ =	shalt  }
0x60: {  	_ =	shalt  }
0x61: {  	_ =	shalt  }
0x62: {  	_ =	shalt  }
0x63: {  	_ =	shalt  }
0x64: {  	_ =	shalt  }
0x65: {  	_ =	shalt  }
0x66: {  	_ =	shalt  }
0x67: {  	_ =	shalt  }
0x68: {  	_ =	shalt  }
0x69: {  	_ =	shalt  }
0x6a: {  	_ =	shalt  }
0x6b: {  	_ =	shalt  }
0x6c: {  	_ =	shalt  }
0x6d: {  	_ =	shalt  }
0x6e: {  	_ =	shalt  }
0x6f: {  	_ =	shalt  }
0x70: {  	_ =	shalt  }
0x71: {  	_ =	shalt  }
0x72: {  	_ =	shalt  }
0x73: {  	_ =	shalt  }
0x74: {  	_ =	shalt  }
0x75: {  	_ =	shalt  }
0x76: {  	_ =	shalt  }
0x77: {  	_ =	shalt  }
0x78: {  	_ =	shalt  }
0x79: {  	_ =	shalt  }
0x7a: {  	_ =	shalt  }
0x7b: {  	_ =	shalt  }
0x7c: {  	_ =	shalt  }
0x7d: {  	_ =	shalt  }
0x7e: {  	_ =	shalt  }
0x7f: {  	_ =	shalt  }
0x80: {  	_ =	shalt  }
0x81: {  	_ =	shalt  }
0x82: {  	_ =	shalt  }
0x83: {  	_ =	shalt  }
0x84: {  	_ =	shalt  }
0x85: {  	_ =	shalt  }
0x86: {  	_ =	shalt  }
0x87: {  	_ =	shalt  }
.Lfunc_end0:
.L_simem_size_0:
called_computation_lowered:
.L_overlay_start_0:
0x88: {  	s2 =	sld [smem:$0x3FD9]  }
0x89: {  	s3 =	sld [smem:$0x3FFE];
	_ =	sdelay $0x1  }
0x8a: {  	s1 =	srdreg.scid  }
0x8b: {  	s0 =	sand.u32 $0x1, s1  }
0x8c: {  	s16 =	sshll.u32 s0, $0xA;
	s2 =	sadd.s32 s3, s2  }
0x8d: {  	s2 =	sadd.s32 s2, s16  }
0x8e: {  	[smem:$0x3FBE] =	sst s2  }
0x8f: {  	_ = 	snop  }
0x90: {  	(tm) =	ssettm $0x1  }
0x91: {  	s17 =	sld [smem:$0x3FFB];
	_ =	sdelay $0x3  }
0x92: {  	_ =	strace s17  }
0x93: {  	s2 =	sld [smem:$0x3FFC];
	_ =	sdelay $0x3  }
0x94: {  	_ =	strace s2  }
0x95: {  	s2 =	sld [smem:$0x3FFD];
	_ =	sdelay $0x3  }
0x96: {  	_ =	strace s2  }
0x97: {  	_ =	strace $0x8FFFFFFF  }
0x98: {  	s18 =	sld [smem:$0x3FDB];
	_ =	sdelay $0x1  }
0x99: {  	s19 =	simm.s32 $_scs_section_size  }
0x9a: {  	s4 =	simm.s32 $_size__tile_overlayer_lowered;
	s5 =	simm.s32 $_tile_overlayer_lowered  }
0x9b: {  	s22 =	simm.s32 $0x1BFF;
	s21 =	sshll.u32 s5, $0x1;
	s2 =	sadd.s32 s19, s18  }
0x9c: {  	s6 =	simm.s32 $0x0;
	s20 =	sshll.u32 s4, $0x1;
	s4 =	sadd.s32 s21, s2  }
0x9d: {  	[timem:s6], [sflag:s22] =	dma.local [hbm:s4], s20  }
0x9e: {  	_ =	swait.ge [sflag:s22], s20  }
0x9f: {  	s3 =	ssub.s32 $0x0, s20;
	[sflag:s22] =	ssyncset.done $0x0  }
0xa0: {  	[sflag:s22] =	ssyncadd.s32 s3;
	_ =	sdelay $0x1  }
0xa1: {  	s23 =	simm.s32 $0x1B8B  }
0xa2: {  	_ =	swait.ge [sflag:s23], $0x1  }
0xa3: {  	[sflag:s23] =	ssyncset.done $0x0  }
0xa4: {  	s25 =	simm.s32 $0x1B8E;
	s24 =	sld [smem:$0x3FFE];
	[sflag:s23] =	ssyncadd.s32 $0xFFFFFFFF  }
0xa5: {  	s26 =	simm.s32 $execute0_lowered;
	[smem:$0x3FD2] =	sst s25  }
0xa6: {  	s4 =	sshll.u32 s26, $0x1;
	_ =	strace $0x80000046;
	[dreg:$0x1] =	wrdreg $0xFFFFFFFF  }
0xa7: {  	s28 =	simm.s32 $_size_execute0_lowered;
	s2 =	sadd.s32 s2, s4;
	[dreg:$0x0] =	wrdreg $0x0  }
0xa8: {  	s4 =	sshll.u32 s28, $0x1;
	[dreg:$0x2] =	wrdreg s2  }
0xa9: {  	[dreg:$0x3] =	wrdreg s4  }
0xaa: {  	[dreg:$0x4] =	wrdreg $0xC0  }
0xab: {  	_ =	task [dreg:s6], $0x5FFFF  }
0xac: {  	[dreg:$0x1] =	wrdreg $0xFFFFFFFF  }
0xad: {  	[dreg:$0x0] =	wrdreg $0x60  }
0xae: {  	[dreg:$0x2] =	wrdreg s24  }
0xaf: {  	[dreg:$0x3] =	wrdreg $0x68000  }
0xb0: {  	[dreg:$0x4] =	wrdreg $0x9  }
0xb1: {  	_ =	task.clear_ibuf [dreg:s6], $0x5FFFF;
	_ =	strace $0x90000046  }
0xb2: {  	s29 =	simm.s32 $0x9;
	_ =	strace $0x80000048  }
0xb3: {  	_ =	swait.ge [sflag:s29], $0x1  }
0xb4: {  	[sflag:s29] =	ssyncadd.s32 $0xFFFFFFFF  }
0xb5: {  	_ =	strace $0x90000048  }
0xb6: {  	_ =	sfence  }
0xb7: {  	s30 =	sld [smem:$0x0];
	_ =	sdelay $0x2  }
0xb8: {  	s31 =	sshll.u32 s1, $0xD;
	s1 =	sshrl.u32 s1, $0x2  }
0xb9: {  	s3 =	sand.u32 $0x4000, s31;
	s1 =	sadd.s32 s1, s30  }
0xba: {  	s0 =	sor.u32 s3, s0;
	s1 =	sshll.u32 s1, $0x11  }
0xbb: {  	s0 =	sor.u32 s1, s0  }
0xbc: {  	s0 =	sadd.s32 $0x8F2B, s0  }
0xbd: {  	[sflag:s0] =	ssyncadd.remote.s32 $0x1  }
0xbe: {  	_ =	sfence.sel $0xFFFF  }
0xbf: {  	[dreg:$0x0] =	wrdreg $0xFFFFFFFF;
	(pc) =	sbr.abs _section_cstart, $3  }
0xc0: {  	[dreg:$0x1] =	wrdreg $0xFFFFFFFF  }
0xc1: {  	_ =	task.clear_ibuf [dreg:s6], $0x2FFFF;
	_ =	strace $0x9FFFFFFF  }
0xc2: {  	(tm) =	ssettm $0x7FFFFFFF  }
0xc3: {  	_ =	shalt  }
tec
execute0_lowered:
.L_overlay_start_1:
0x0: {  	(tag) =	ssettag $0x1  }
0x1: {  	s5 =	rddreg [dreg:$0x0]  }
0x2: {  	s2 =	rddreg [dreg:$0x1]  }
0x3: {  	s0 =	rddreg [dreg:$0x2]  }
0x4: {  	s1 =	stileid.u32;
	s6 =	srdreg.scid  }
0x5: {  	s3 =	simm.s32 $0x0;
	s14 =	simm.s32 $0x80;
	s4 =	smul.u32 $0x500, s1  }
0x6: {  	s15 =	simm.s32 $0x0;
	s7 =	smul.u32 $0x14000, s1;
	s6 =	sand.u32 $0x1, s6  }
0x7: {  	[smem:$0x7FF] =	sst s3;
	s12 =	smul.u32 $0x50000, s1;
	s31 =	sshll.u32 s1, $0x6  }
0x8: {  	s8 =	smul.u32 $0x140000, s6;
	_ =	strace $0x80000047;
	s28 =	ssub.s32 $0x2, s6  }
0x9: {  	s30 =	smul.u32 $0x5000, s6;
	s9 =	sadd.s32 s4, s5;
	s4 =	sadd.s32 $0x2FA00, s5  }
0xa: {  	s10 =	sshrl.u32 s7, $0x3;
	s11 =	sshrl.u32 s28, $0x1;
	s29 =	sshrl.u32 s12, $0x2  }
0xb: {  	s12 =	sor.u32 $0x1C01, s31;
	s7 =	sadd.s32 s7, s8;
	s10 =	sadd.s32 s10, s5  }
0xc: {  	s8 =	ssub.s32 s28, s11;
	s13 =	sadd.s32 s29, s2;
	s11 =	simm.s32 $0x2800  }
0xd: {  	s7 =	sshrl.u32 s7, $0x3;
	s6 =	sadd.s32 $0x7A00, s10;
	s8 =	smax.u32 s8, $0x1  }
0xe: {  	s10 =	simm.s32 $0x1;
	s13 =	sshrl.u32 s13, $0x3;
	s7 =	sadd.s32 s7, s5  }
0xf: {  	s5 =	sadd.s32 $0x2A00, s9;
	s9 =	sshrl.u32 s30, $0x2;
	s7 =	sadd.s32 $0x30200, s7  }
.LBB2_1:
0x10: {  	[tilespmem:s3], [sflag:$0x1] =	stream.linear.gather [hbm4b:s5+s3], $0x2800, $0x38;
	[tilespmem:$0x1A800] =	vst v63  }
0x11: {  	_ =	swait.ge [sflag:s10], $0x2800  }
0x12: {  	[sflag:s10] =	ssyncset.done $0x0  }
0x13: {  	[sflag:s10] =	ssyncadd.s32 $0xFFFFD800  }
0x14: {  	[tilespmem:s11], [sflag:$0x1] =	stream.linear.gather [hbm4b:s4+s3], $0x4000, $0x38;
	[tilespmem:$0x1A800] =	vst v63  }
0x15: {  	_ =	swait.ge [sflag:s10], $0x4000  }
0x16: {  	[sflag:s10] =	ssyncset.done $0x0  }
0x17: {  	[sflag:s10] =	ssyncadd.s32 $0xFFFFC000  }
0x18: {  	[spmem:s13], [sflag:s12] =	dma.local [hbm:s6], $0x2800  }
0x19: {  	_ =	swait.ge [sflag:s10], $0x2800  }
0x1a: {  	[sflag:s10] =	ssyncset.done $0x0  }
0x1b: {  	[sflag:s10] =	ssyncadd.s32 $0xFFFFD800  }
0x1c: {  	s16 =	sadd.s32 $0x0, s9;
	[bflag:$0x0] =	sbarrier.arrive $0xFFFF  }
0x1d: {  	[spmem:s2] =	stream.indirect.scatter.add.f32 [tilespmem:s11], [sflag:$0x1], $0x80, s16, s14, $0xb8;
	[tilespmem:$0x1A800] =	vst v63  }
0x1e: {  	s16 =	simm.s32 $0x200;
	_ =	swait.ge [sflag:s10], $0x4000  }
.LBB2_2:
0x1f: {  	s17 =	sshra.s32 s16, $0x2;
	[sflag:s10] =	ssyncset.done $0x0;
	p0 =	sne.s32 s16, $0x4E00  }
.Ltmp0:
0x20: {  	s17 =	sadd.s32 s17, s9;
	[sflag:s10] =	ssyncadd.s32 $0xFFFFC000;
	(pc) =	sbr.rel @p0 .LBB2_2-.Ltmp0, $3  }
0x21: {  	[spmem:s2] =	stream.indirect.scatter.add.f32 [tilespmem:s11], [sflag:$0x1], $0x80, s17, s14, $0xb8;
	[tilespmem:$0x1A800] =	vst v63  }
0x22: {  	s16 =	sadd.s32 $0x200, s16;
	_ =	sdelay $0x1  }
0x23: {  	_ =	swait.ge [sflag:s10], $0x4000  }
0x24: {  	[sflag:s10] =	ssyncset.done $0x0;
	s15 =	sadd.s32 $0x1, s15  }
0x25: {  	[sflag:s10] =	ssyncadd.s32 $0xFFFFC000;
	p0 =	sne.s32 s15, s8  }
.Ltmp1:
0x26: {  	[bflag:$0x0] =	sbarrier.arrive $0xFFFF;
	(pc) =	sbr.rel @p0 .LBB2_1-.Ltmp1, $4  }
0x27: {  	[hbm:s7], [sflag:s12] =	dma.local [spmem:s13], $0x2800  }
0x28: {  	_ =	swait.ge [sflag:s10], $0x2800  }
0x29: {  	[sflag:s10] =	ssyncset.done $0x0  }
0x2a: {  	[sflag:s10] =	ssyncadd.s32 $0xFFFFD800  }
0x2b: {  	_ =	sfence.sel $0x180000  }
0x2c: {  	[bflag:$0x0] =	sbarrier.arrive $0xFFFF  }
0x2d: {  	p0 =	sne.s32 s1, $0x0;
	_ =	strace $0x90000047  }
0x2e: {  	s0 =	sadd.s32 @!p0 $0x100000, s0;
	[bflag:$0x2] =	sbarrier.arrive $0xFFFF  }
0x2f: {  	[sflag:s0] =	ssyncadd.tile.s32 @!p0 $0x1;
	_ =	shalt  }
.Lfunc_end2:
_tile_overlayer_lowered:
.L_overlay_start_2:
0x30: {  	(tag) =	ssettag $0x2  }
0x31: {  	s0 =	rddreg [dreg:$0x0];
	s2 =	stileid.u32  }
0x32: {  	s1 =	rddreg [dreg:$0x1];
	p0 =	sne.s32 s2, $0x0  }
0x33: {  	s3 =	rddreg [dreg:$0x2];
	[bflag:$0x3] =	sbarrier.arrive $0xFFFF;
	s2 =	simm.s32 @!p0 $0x1C01  }
0x34: {  	[timem:s3], [sflag:s2] =	dma.local @!p0 [hbm:s0], s1  }
0x35: {  	s0 =	simm.s32 @!p0 $0x1  }
0x36: {  	_ =	swait.ge @!p0 [sflag:s0], s1  }
0x37: {  	s1 =	ssub.s32 @!p0 $0x0, s1;
	[sflag:s0] =	ssyncset.done @!p0 $0x0  }
0x38: {  	[sflag:s0] =	ssyncadd.s32 @!p0 s1  }
0x39: {  	[bflag:$0x3] =	sbarrier.arrive $0xFFFF  }
0x3a: {  	_ =	shalt  }

</sc_bundles>
